<compile_context>
chip_gen: v7x
topology: tpu7x:2x2x1
jax: 0.10.2.dev20260603
libtpu: 0.0.44.dev20260713+nightly
codegen_flags: <defaults>
</compile_context>

<pallas_src>
import jax
import jax.numpy as jnp
from jax import lax
from jax.experimental import pallas as pl
from jax.experimental.pallas import tpu as pltpu
from jax.experimental.pallas import tpu_sc as plsc

_B, _T, _H, _W = 1024, 8, 16, 16
_J = _T * _H * _W
_NE = 64
_VOCAB = 10
_NC, _NS, _L = 1, 16, 16
_NW = _NC * _NS
_CHUNK = 32
_SPW = _B // _NW
_BW = 768
_VPS = _J // _L


def _scatter_body(x_hbm, bins_hbm, xall, bins):
    sid = lax.axis_index("s")
    lane = lax.iota(jnp.int32, _L)
    lane16 = lane * _L
    ones = jnp.ones((_L,), jnp.float32)
    zeros16 = jnp.zeros((_L,), jnp.float32)

    for chunk in range(_SPW // _CHUNK):
        base = sid * _SPW + chunk * _CHUNK
        pltpu.sync_copy(x_hbm.at[pl.ds(base * _J, _CHUNK * _J)], xall)

        @plsc.parallel_loop(0, _CHUNK * _BW // _L, step=16)
        def _(z):
            zbase = pl.multiple_of(z * _L, _L * 16)
            for k in range(16):
                bins[pl.ds(zbase + k * _L, _L)] = zeros16

        @plsc.parallel_loop(0, _CHUNK * _VPS, step=8)
        def _(i):
            s = i // _VPS
            im16 = i % _H
            vbase = lane16 + s * _BW
            rbase = vbase + (_L * _L) + im16
            cbase = lane + (s * _BW + 2 * _L * _L)
            off = pl.multiple_of(i * _L, _L * 8)
            for k in range(8):
                xv = xall[pl.ds(off + k * _L, _L)]
                maskf = jnp.minimum(xv, 1).astype(jnp.float32)
                plsc.addupdate_scatter(bins, [vbase + xv], ones)
                plsc.addupdate_scatter(bins, [rbase + k], maskf)
                plsc.addupdate_scatter(bins, [cbase], maskf)

        pltpu.sync_copy(bins, bins_hbm.at[pl.ds(base * _BW, _CHUNK * _BW)])


def _sc_scatter(x2):
    mesh = plsc.VectorSubcoreMesh(core_axis_name="c", subcore_axis_name="s",
                                  num_cores=_NC, num_subcores=_NS)
    fn = pl.kernel(
        _scatter_body,
        out_type=jax.ShapeDtypeStruct((_B * _BW,), jnp.float32),
        mesh=mesh,
        compiler_params=pltpu.CompilerParams(needs_layout_passes=False),
        scratch_types=[
            pltpu.VMEM((_CHUNK * _J,), jnp.int32),
            pltpu.VMEM((_CHUNK * _BW,), jnp.float32),
        ],
    )
    return fn(x2)


def _combine_body(bins_ref, hp_ref, row_ref, cole_ref, val_ref, w_ref,
                  b_ref, out_ref):
    bins = bins_ref[...]
    kk = lax.broadcasted_iota(jnp.int32, (_BW, 3 * _L), 0)
    vv = lax.broadcasted_iota(jnp.int32, (_BW, 3 * _L), 1)
    m16 = kk % _L
    val_s = ((m16 == vv).astype(jnp.float32)
             * (kk < _L * _L).astype(jnp.float32))
    row_s = ((m16 == (vv - _L)).astype(jnp.float32)
             * ((kk >= _L * _L) & (kk < 2 * _L * _L)).astype(jnp.float32))
    col_s = (((kk - 2 * _L * _L) == (vv - 2 * _L)).astype(jnp.float32)
             * (kk >= 2 * _L * _L).astype(jnp.float32))
    sel = val_s + row_s + col_s
    counts = jnp.dot(bins, sel, preferred_element_type=jnp.float32)
    valcnt = counts[:, :_L]
    rowcnt = counts[:, _L:2 * _L]
    colcnt = counts[:, 2 * _L:]

    vmask = (lax.broadcasted_iota(jnp.int32, (_VOCAB, 1), 0) != 0
             ).astype(jnp.float32)
    vtab = jnp.concatenate(
        [val_ref[...] * vmask, jnp.zeros((_L - _VOCAB, _NE), jnp.float32)],
        axis=0)
    num = (jnp.dot(valcnt, vtab, preferred_element_type=jnp.float32)
           + jnp.dot(rowcnt, row_ref[...], preferred_element_type=jnp.float32)
           + jnp.dot(colcnt, cole_ref[...],
                     preferred_element_type=jnp.float32))
    den = jnp.maximum(float(_J) - valcnt[:, 0:1], 1.0)
    h = num / den
    dn = (((1,), (1,)), ((), ()))
    out = lax.dot_general(h, w_ref[:, :_NE], dn,
                          preferred_element_type=jnp.float32)
    out = out + lax.dot_general(hp_ref[...], w_ref[:, _NE:], dn,
                                preferred_element_type=jnp.float32)
    out_ref[...] = out + b_ref[...]


@jax.jit
def kernel(x, h_parent, row_embed, col_embed, val_embed, head_w, head_b):
    x2 = x.reshape(_B * _J).astype(jnp.int32)
    bins = _sc_scatter(x2)
    nd = head_w.shape[0]
    out = pl.pallas_call(
        _combine_body,
        out_shape=jax.ShapeDtypeStruct((_B, nd), jnp.float32),
    )(bins.reshape(_B, _BW), h_parent, row_embed, col_embed, val_embed,
      head_w, head_b.reshape(1, -1))
    return out

# --- scband reference (transcript-rebuilt; emitter-appended) ---
"""Pipeline reference for scband-mat-recognition-model-61177514164648 (READ-ONLY COPY).

The authoritative reference and input builder live on the scoring server;
editing this copy changes nothing except your own understanding.
"""

import jax, jax.numpy as jnp
import numpy as np

B, T, H, W = 1024, 8, 16, 16
ND, NEMBD, VOCAB, MAXC = 128, 64, 10, 16


def setup_inputs(seed: int = 0) -> dict:
    key = jax.random.key(seed)
    ks = jax.random.split(key, 7)
    x = jax.random.randint(ks[0], (B, T, H, W), 0, VOCAB)
    h_parent = jax.random.normal(ks[1], (B, NEMBD), dtype=jnp.float32)
    row_embed = jax.random.normal(ks[2], (MAXC, NEMBD), dtype=jnp.float32) * 0.02
    col_embed = jax.random.normal(ks[3], (MAXC, NEMBD), dtype=jnp.float32) * 0.02
    val_embed = jax.random.normal(ks[4], (VOCAB, NEMBD), dtype=jnp.float32) * 0.02
    head_w = jax.random.normal(ks[5], (ND, 2 * NEMBD), dtype=jnp.float32) * 0.02
    head_b = jnp.zeros((ND,), dtype=jnp.float32)
    return {"x": x, "h_parent": h_parent, "row_embed": row_embed, "col_embed": col_embed,
            "val_embed": val_embed, "head_w": head_w, "head_b": head_b}


def reference(x, h_parent, row_embed, col_embed, val_embed, head_w, head_b):
    b, t, h, w = x.shape
    r = jnp.arange(h)
    c = jnp.arange(w)
    # h_entity = row_embed[r] + col_embed[c] + val_embed[v]  (broadcast over B,T,H,W)
    e = (row_embed[r][None, None, :, None, :]
         + col_embed[c][None, None, None, :, :]
         + val_embed[jnp.clip(x, 0, val_embed.shape[0] - 1)])
    mask = (x != 0).astype(jnp.float32)[..., None]
    num = (e * mask).sum(axis=(1, 2, 3))
    den = jnp.clip(mask.sum(axis=(1, 2, 3)), 1.0, None)
    h_matrix = num / den
    dsl_logits = jnp.concatenate([h_matrix, h_parent], axis=-1) @ head_w.T + head_b
    return dsl_logits

if __name__ == "__main__":
    import jax
    _d = setup_inputs()
    print(jax.jit(kernel)(*tuple(_d.values())))

</pallas_src>

<mosaic_0001>
#map = affine_map<(d0, d1) -> (0)>
module attributes {stable_mosaic.version = 14 : i64} {
  func.func @_scatter_body(%arg0: i32, %arg1: i32, %arg2: memref<2097152xi32, #tpu.memory_space<hbm>>, %arg3: memref<786432xf32, #tpu.memory_space<hbm>>, %arg4: memref<65536xi32, #tpu.memory_space<vmem>>, %arg5: memref<24576xf32, #tpu.memory_space<vmem>>) attributes {dimension_semantics = [#tpu.dimension_semantics<core_parallel>, #tpu.dimension_semantics<subcore_parallel>], iteration_bounds = array<i64: 1, 16>, scalar_prefetch = 0 : i64, scratch_operands = 2 : i64, tpu.core_type = #tpu.core_type<sc_vector_subcore>, window_params = [{transform_indices = #map}, {transform_indices = #map}]} {
    %iota3A = tpu.iota {dimensions = array<i32: 0>} : vector<16xi32>
    %mul3A = arith.constant 16 : i32
    %mul3A_0 = vector.broadcast %mul3A : i32 to vector<16xi32>
    %mul3A_1 = arith.muli %iota3A, %mul3A_0 : vector<16xi32>
    %broadcast_in_dim3A = arith.constant 1.000000e+00 : f32
    %broadcast_in_dim3A_2 = vector.broadcast %broadcast_in_dim3A : f32 to vector<16xf32>
    %broadcast_in_dim3A_3 = arith.constant 0.000000e+00 : f32
    %broadcast_in_dim3A_4 = vector.broadcast %broadcast_in_dim3A_3 : f32 to vector<16xf32>
    %mul3A_5 = arith.constant 64 : i32
    %mul3A_6 = arith.muli %arg1, %mul3A_5 : i32
    %add3A = arith.constant 0 : i32
    %add3A_7 = arith.addi %mul3A_6, %add3A : i32
    %mul3A_8 = arith.constant 2048 : i32
    %mul3A_9 = arith.muli %add3A_7, %mul3A_8 : i32
    "tpu.region"() ({
      %run_scoped3A = tpu.sem_alloc : memref<!tpu.dma_semaphore, #tpu.memory_space<semaphore_mem>>
      %dma_start3A = tpu.memref_slice %arg2[%mul3A_9] : memref<2097152xi32, #tpu.memory_space<hbm>> -> memref<65536xi32, #tpu.memory_space<hbm>>
      %dma_start3A_31 = tpu.memref_slice %arg2[%mul3A_9] : memref<2097152xi32, #tpu.memory_space<hbm>> -> memref<65536xi32, #tpu.memory_space<hbm>>
      tpu.enqueue_dma source(%dma_start3A_31 : memref<65536xi32, #tpu.memory_space<hbm>>) target(%arg4 : memref<65536xi32, #tpu.memory_space<vmem>>) target_semaphore(%run_scoped3A : memref<!tpu.dma_semaphore, #tpu.memory_space<semaphore_mem>>)
      %dma_wait3A = tpu.memref_slice %arg2[%mul3A_9] : memref<2097152xi32, #tpu.memory_space<hbm>> -> memref<65536xi32, #tpu.memory_space<hbm>>
      %dma_wait3A_32 = tpu.memref_slice %arg2[%mul3A_9] : memref<2097152xi32, #tpu.memory_space<hbm>> -> memref<65536xi32, #tpu.memory_space<hbm>>
      tpu.wait_dma2 semaphore(%run_scoped3A : memref<!tpu.dma_semaphore, #tpu.memory_space<semaphore_mem>>) src(%dma_wait3A_32 : memref<65536xi32, #tpu.memory_space<hbm>>) dst(%arg4 : memref<65536xi32, #tpu.memory_space<vmem>>)
      tpu.yield
    }) : () -> ()
    %parallel_loop3A = arith.constant 0 : i32
    %parallel_loop3A_10 = arith.constant 1536 : i32
    %parallel_loop3A_11 = arith.constant 16 : i32
    scf.for %parallel_loop3A_31 = %parallel_loop3A to %parallel_loop3A_10 step %parallel_loop3A_11  : i32 {
      %parallel_loop3A_32 = arith.constant 16 : i32
      %parallel_loop3A_33 = arith.muli %parallel_loop3A_31, %parallel_loop3A_32 : i32
      %parallel_loop3A_34 = tpu.assume_multiple %parallel_loop3A_33, 256 : i32
      %parallel_loop3A_35 = arith.constant 0 : i32
      %parallel_loop3A_36 = arith.addi %parallel_loop3A_34, %parallel_loop3A_35 : i32
      %parallel_loop3A_37 = arith.index_cast %parallel_loop3A_36 : i32 to index
      %parallel_loop3A_38 = tpu.vector_load %arg5[%parallel_loop3A_37] {strides = array<i32>} : memref<24576xf32, #tpu.memory_space<vmem>>, vector<16xf32>,
      tpu.vector_store %arg5[%parallel_loop3A_37], %broadcast_in_dim3A_4 {strides = array<i32>} : memref<24576xf32, #tpu.memory_space<vmem>>, vector<16xf32>,
      %parallel_loop3A_39 = arith.constant 16 : i32
      %parallel_loop3A_40 = arith.addi %parallel_loop3A_34, %parallel_loop3A_39 : i32
      %parallel_loop3A_41 = arith.index_cast %parallel_loop3A_40 : i32 to index
      %parallel_loop3A_42 = tpu.vector_load %arg5[%parallel_loop3A_41] {strides = array<i32>} : memref<24576xf32, #tpu.memory_space<vmem>>, vector<16xf32>,
      tpu.vector_store %arg5[%parallel_loop3A_41], %broadcast_in_dim3A_4 {strides = array<i32>} : memref<24576xf32, #tpu.memory_space<vmem>>, vector<16xf32>,
      %parallel_loop3A_43 = arith.constant 32 : i32
      %parallel_loop3A_44 = arith.addi %parallel_loop3A_34, %parallel_loop3A_43 : i32
      %parallel_loop3A_45 = arith.index_cast %parallel_loop3A_44 : i32 to index
      %parallel_loop3A_46 = tpu.vector_load %arg5[%parallel_loop3A_45] {strides = array<i32>} : memref<24576xf32, #tpu.memory_space<vmem>>, vector<16xf32>,
      tpu.vector_store %arg5[%parallel_loop3A_45], %broadcast_in_dim3A_4 {strides = array<i32>} : memref<24576xf32, #tpu.memory_space<vmem>>, vector<16xf32>,
      %parallel_loop3A_47 = arith.constant 48 : i32
      %parallel_loop3A_48 = arith.addi %parallel_loop3A_34, %parallel_loop3A_47 : i32
      %parallel_loop3A_49 = arith.index_cast %parallel_loop3A_48 : i32 to index
      %parallel_loop3A_50 = tpu.vector_load %arg5[%parallel_loop3A_49] {strides = array<i32>} : memref<24576xf32, #tpu.memory_space<vmem>>, vector<16xf32>,
      tpu.vector_store %arg5[%parallel_loop3A_49], %broadcast_in_dim3A_4 {strides = array<i32>} : memref<24576xf32, #tpu.memory_space<vmem>>, vector<16xf32>,
      %parallel_loop3A_51 = arith.constant 64 : i32
      %parallel_loop3A_52 = arith.addi %parallel_loop3A_34, %parallel_loop3A_51 : i32
      %parallel_loop3A_53 = arith.index_cast %parallel_loop3A_52 : i32 to index
      %parallel_loop3A_54 = tpu.vector_load %arg5[%parallel_loop3A_53] {strides = array<i32>} : memref<24576xf32, #tpu.memory_space<vmem>>, vector<16xf32>,
      tpu.vector_store %arg5[%parallel_loop3A_53], %broadcast_in_dim3A_4 {strides = array<i32>} : memref<24576xf32, #tpu.memory_space<vmem>>, vector<16xf32>,
      %parallel_loop3A_55 = arith.constant 80 : i32
      %parallel_loop3A_56 = arith.addi %parallel_loop3A_34, %parallel_loop3A_55 : i32
      %parallel_loop3A_57 = arith.index_cast %parallel_loop3A_56 : i32 to index
      %parallel_loop3A_58 = tpu.vector_load %arg5[%parallel_loop3A_57] {strides = array<i32>} : memref<24576xf32, #tpu.memory_space<vmem>>, vector<16xf32>,
      tpu.vector_store %arg5[%parallel_loop3A_57], %broadcast_in_dim3A_4 {strides = array<i32>} : memref<24576xf32, #tpu.memory_space<vmem>>, vector<16xf32>,
      %parallel_loop3A_59 = arith.constant 96 : i32
      %parallel_loop3A_60 = arith.addi %parallel_loop3A_34, %parallel_loop3A_59 : i32
      %parallel_loop3A_61 = arith.index_cast %parallel_loop3A_60 : i32 to index
      %parallel_loop3A_62 = tpu.vector_load %arg5[%parallel_loop3A_61] {strides = array<i32>} : memref<24576xf32, #tpu.memory_space<vmem>>, vector<16xf32>,
      tpu.vector_store %arg5[%parallel_loop3A_61], %broadcast_in_dim3A_4 {strides = array<i32>} : memref<24576xf32, #tpu.memory_space<vmem>>, vector<16xf32>,
      %parallel_loop3A_63 = arith.constant 112 : i32
      %parallel_loop3A_64 = arith.addi %parallel_loop3A_34, %parallel_loop3A_63 : i32
      %parallel_loop3A_65 = arith.index_cast %parallel_loop3A_64 : i32 to index
      %parallel_loop3A_66 = tpu.vector_load %arg5[%parallel_loop3A_65] {strides = array<i32>} : memref<24576xf32, #tpu.memory_space<vmem>>, vector<16xf32>,
      tpu.vector_store %arg5[%parallel_loop3A_65], %broadcast_in_dim3A_4 {strides = array<i32>} : memref<24576xf32, #tpu.memory_space<vmem>>, vector<16xf32>,
      %parallel_loop3A_67 = arith.constant 128 : i32
      %parallel_loop3A_68 = arith.addi %parallel_loop3A_34, %parallel_loop3A_67 : i32
      %parallel_loop3A_69 = arith.index_cast %parallel_loop3A_68 : i32 to index
      %parallel_loop3A_70 = tpu.vector_load %arg5[%parallel_loop3A_69] {strides = array<i32>} : memref<24576xf32, #tpu.memory_space<vmem>>, vector<16xf32>,
      tpu.vector_store %arg5[%parallel_loop3A_69], %broadcast_in_dim3A_4 {strides = array<i32>} : memref<24576xf32, #tpu.memory_space<vmem>>, vector<16xf32>,
      %parallel_loop3A_71 = arith.constant 144 : i32
      %parallel_loop3A_72 = arith.addi %parallel_loop3A_34, %parallel_loop3A_71 : i32
      %parallel_loop3A_73 = arith.index_cast %parallel_loop3A_72 : i32 to index
      %parallel_loop3A_74 = tpu.vector_load %arg5[%parallel_loop3A_73] {strides = array<i32>} : memref<24576xf32, #tpu.memory_space<vmem>>, vector<16xf32>,
      tpu.vector_store %arg5[%parallel_loop3A_73], %broadcast_in_dim3A_4 {strides = array<i32>} : memref<24576xf32, #tpu.memory_space<vmem>>, vector<16xf32>,
      %parallel_loop3A_75 = arith.constant 160 : i32
      %parallel_loop3A_76 = arith.addi %parallel_loop3A_34, %parallel_loop3A_75 : i32
      %parallel_loop3A_77 = arith.index_cast %parallel_loop3A_76 : i32 to index
      %parallel_loop3A_78 = tpu.vector_load %arg5[%parallel_loop3A_77] {strides = array<i32>} : memref<24576xf32, #tpu.memory_space<vmem>>, vector<16xf32>,
      tpu.vector_store %arg5[%parallel_loop3A_77], %broadcast_in_dim3A_4 {strides = array<i32>} : memref<24576xf32, #tpu.memory_space<vmem>>, vector<16xf32>,
      %parallel_loop3A_79 = arith.constant 176 : i32
      %parallel_loop3A_80 = arith.addi %parallel_loop3A_34, %parallel_loop3A_79 : i32
      %parallel_loop3A_81 = arith.index_cast %parallel_loop3A_80 : i32 to index
      %parallel_loop3A_82 = tpu.vector_load %arg5[%parallel_loop3A_81] {strides = array<i32>} : memref<24576xf32, #tpu.memory_space<vmem>>, vector<16xf32>,
      tpu.vector_store %arg5[%parallel_loop3A_81], %broadcast_in_dim3A_4 {strides = array<i32>} : memref<24576xf32, #tpu.memory_space<vmem>>, vector<16xf32>,
      %parallel_loop3A_83 = arith.constant 192 : i32
      %parallel_loop3A_84 = arith.addi %parallel_loop3A_34, %parallel_loop3A_83 : i32
      %parallel_loop3A_85 = arith.index_cast %parallel_loop3A_84 : i32 to index
      %parallel_loop3A_86 = tpu.vector_load %arg5[%parallel_loop3A_85] {strides = array<i32>} : memref<24576xf32, #tpu.memory_space<vmem>>, vector<16xf32>,
      tpu.vector_store %arg5[%parallel_loop3A_85], %broadcast_in_dim3A_4 {strides = array<i32>} : memref<24576xf32, #tpu.memory_space<vmem>>, vector<16xf32>,
      %parallel_loop3A_87 = arith.constant 208 : i32
      %parallel_loop3A_88 = arith.addi %parallel_loop3A_34, %parallel_loop3A_87 : i32
      %parallel_loop3A_89 = arith.index_cast %parallel_loop3A_88 : i32 to index
      %parallel_loop3A_90 = tpu.vector_load %arg5[%parallel_loop3A_89] {strides = array<i32>} : memref<24576xf32, #tpu.memory_space<vmem>>, vector<16xf32>,
      tpu.vector_store %arg5[%parallel_loop3A_89], %broadcast_in_dim3A_4 {strides = array<i32>} : memref<24576xf32, #tpu.memory_space<vmem>>, vector<16xf32>,
      %parallel_loop3A_91 = arith.constant 224 : i32
      %parallel_loop3A_92 = arith.addi %parallel_loop3A_34, %parallel_loop3A_91 : i32
      %parallel_loop3A_93 = arith.index_cast %parallel_loop3A_92 : i32 to index
      %parallel_loop3A_94 = tpu.vector_load %arg5[%parallel_loop3A_93] {strides = array<i32>} : memref<24576xf32, #tpu.memory_space<vmem>>, vector<16xf32>,
      tpu.vector_store %arg5[%parallel_loop3A_93], %broadcast_in_dim3A_4 {strides = array<i32>} : memref<24576xf32, #tpu.memory_space<vmem>>, vector<16xf32>,
      %parallel_loop3A_95 = arith.constant 240 : i32
      %parallel_loop3A_96 = arith.addi %parallel_loop3A_34, %parallel_loop3A_95 : i32
      %parallel_loop3A_97 = arith.index_cast %parallel_loop3A_96 : i32 to index
      %parallel_loop3A_98 = tpu.vector_load %arg5[%parallel_loop3A_97] {strides = array<i32>} : memref<24576xf32, #tpu.memory_space<vmem>>, vector<16xf32>,
      tpu.vector_store %arg5[%parallel_loop3A_97], %broadcast_in_dim3A_4 {strides = array<i32>} : memref<24576xf32, #tpu.memory_space<vmem>>, vector<16xf32>,
    } {sc.loop_unroll_factor = 1 : i64, sc.parallel_access}
    %parallel_loop3A_12 = arith.constant 0 : i32
    %parallel_loop3A_13 = arith.constant 4096 : i32
    %parallel_loop3A_14 = arith.constant 8 : i32
    scf.for %parallel_loop3A_31 = %parallel_loop3A_12 to %parallel_loop3A_13 step %parallel_loop3A_14  : i32 {
      %parallel_loop3A_32 = arith.constant 128 : i32
      %parallel_loop3A_33 = arith.divsi %parallel_loop3A_31, %parallel_loop3A_32 : i32
      %parallel_loop3A_34 = arith.constant 0 : i32
      %parallel_loop3A_35 = arith.cmpi sgt, %parallel_loop3A_31, %parallel_loop3A_34 : i32
      %parallel_loop3A_36 = arith.extui %parallel_loop3A_35 : i1 to i32
      %parallel_loop3A_37 = arith.constant 0 : i32
      %parallel_loop3A_38 = arith.cmpi slt, %parallel_loop3A_31, %parallel_loop3A_37 : i32
      %parallel_loop3A_39 = arith.extui %parallel_loop3A_38 : i1 to i32
      %parallel_loop3A_40 = arith.subi %parallel_loop3A_36, %parallel_loop3A_39 : i32
      %parallel_loop3A_41 = arith.constant 0 : i32
      %parallel_loop3A_42 = arith.cmpi sgt, %parallel_loop3A_32, %parallel_loop3A_41 : i32
      %parallel_loop3A_43 = arith.extui %parallel_loop3A_42 : i1 to i32
      %parallel_loop3A_44 = arith.constant 0 : i32
      %parallel_loop3A_45 = arith.cmpi slt, %parallel_loop3A_32, %parallel_loop3A_44 : i32
      %parallel_loop3A_46 = arith.extui %parallel_loop3A_45 : i1 to i32
      %parallel_loop3A_47 = arith.subi %parallel_loop3A_43, %parallel_loop3A_46 : i32
      %parallel_loop3A_48 = arith.cmpi ne, %parallel_loop3A_40, %parallel_loop3A_47 : i32
      %parallel_loop3A_49 = arith.remsi %parallel_loop3A_31, %parallel_loop3A_32 : i32
      %parallel_loop3A_50 = arith.constant 0 : i32
      %parallel_loop3A_51 = arith.cmpi ne, %parallel_loop3A_49, %parallel_loop3A_50 : i32
      %parallel_loop3A_52 = arith.andi %parallel_loop3A_48, %parallel_loop3A_51 : i1
      %parallel_loop3A_53 = arith.constant 1 : i32
      %parallel_loop3A_54 = arith.subi %parallel_loop3A_33, %parallel_loop3A_53 : i32
      %parallel_loop3A_55 = arith.select %parallel_loop3A_52, %parallel_loop3A_54, %parallel_loop3A_33 : i32
      %parallel_loop3A_56 = arith.constant 16 : i32
      %parallel_loop3A_57 = arith.constant 0 : i32
      %parallel_loop3A_58 = arith.cmpi eq, %parallel_loop3A_56, %parallel_loop3A_57 : i32
      %parallel_loop3A_59 = arith.constant 1 : i32
      %parallel_loop3A_60 = arith.select %parallel_loop3A_58, %parallel_loop3A_59, %parallel_loop3A_56 : i32
      %parallel_loop3A_61 = arith.remsi %parallel_loop3A_31, %parallel_loop3A_60 : i32
      %parallel_loop3A_62 = arith.constant 0 : i32
      %parallel_loop3A_63 = arith.cmpi ne, %parallel_loop3A_61, %parallel_loop3A_62 : i32
      %parallel_loop3A_64 = arith.constant 0 : i32
      %parallel_loop3A_65 = arith.cmpi slt, %parallel_loop3A_61, %parallel_loop3A_64 : i32
      %parallel_loop3A_66 = arith.constant 0 : i32
      %parallel_loop3A_67 = arith.cmpi slt, %parallel_loop3A_60, %parallel_loop3A_66 : i32
      %parallel_loop3A_68 = arith.xori %parallel_loop3A_65, %parallel_loop3A_67 : i1
      %parallel_loop3A_69 = arith.andi %parallel_loop3A_68, %parallel_loop3A_63 : i1
      %parallel_loop3A_70 = arith.addi %parallel_loop3A_61, %parallel_loop3A_60 : i32
      %parallel_loop3A_71 = arith.select %parallel_loop3A_69, %parallel_loop3A_70, %parallel_loop3A_61 : i32
      %parallel_loop3A_72 = arith.constant 768 : i32
      %parallel_loop3A_73 = arith.muli %parallel_loop3A_55, %parallel_loop3A_72 : i32
      %parallel_loop3A_74 = vector.broadcast %parallel_loop3A_73 : i32 to vector<16xi32>
      %parallel_loop3A_75 = arith.addi %mul3A_1, %parallel_loop3A_74 : vector<16xi32>
      %parallel_loop3A_76 = arith.constant 256 : i32
      %parallel_loop3A_77 = vector.broadcast %parallel_loop3A_76 : i32 to vector<16xi32>
      %parallel_loop3A_78 = arith.addi %parallel_loop3A_75, %parallel_loop3A_77 : vector<16xi32>
      %parallel_loop3A_79 = vector.broadcast %parallel_loop3A_71 : i32 to vector<16xi32>
      %parallel_loop3A_80 = arith.addi %parallel_loop3A_78, %parallel_loop3A_79 : vector<16xi32>
      %parallel_loop3A_81 = arith.constant 768 : i32
      %parallel_loop3A_82 = arith.muli %parallel_loop3A_55, %parallel_loop3A_81 : i32
      %parallel_loop3A_83 = arith.constant 512 : i32
      %parallel_loop3A_84 = arith.addi %parallel_loop3A_82, %parallel_loop3A_83 : i32
      %parallel_loop3A_85 = vector.broadcast %parallel_loop3A_84 : i32 to vector<16xi32>
      %parallel_loop3A_86 = arith.addi %iota3A, %parallel_loop3A_85 : vector<16xi32>
      %parallel_loop3A_87 = arith.constant 16 : i32
      %parallel_loop3A_88 = arith.muli %parallel_loop3A_31, %parallel_loop3A_87 : i32
      %parallel_loop3A_89 = tpu.assume_multiple %parallel_loop3A_88, 128 : i32
      %parallel_loop3A_90 = arith.constant 0 : i32
      %parallel_loop3A_91 = arith.addi %parallel_loop3A_89, %parallel_loop3A_90 : i32
      %parallel_loop3A_92 = arith.index_cast %parallel_loop3A_91 : i32 to index
      %parallel_loop3A_93 = tpu.vector_load %arg4[%parallel_loop3A_92] {strides = array<i32>} : memref<65536xi32, #tpu.memory_space<vmem>>, vector<16xi32>,
      %parallel_loop3A_94 = arith.constant 1 : i32
      %parallel_loop3A_95 = vector.broadcast %parallel_loop3A_94 : i32 to vector<16xi32>
      %parallel_loop3A_96 = arith.minsi %parallel_loop3A_93, %parallel_loop3A_95 : vector<16xi32>
      %parallel_loop3A_97 = arith.sitofp %parallel_loop3A_96 : vector<16xi32> to vector<16xf32>
      %parallel_loop3A_98 = arith.addi %parallel_loop3A_75, %parallel_loop3A_93 : vector<16xi32>
      tpu.vector_store_idx %arg5[%parallel_loop3A_98], %broadcast_in_dim3A_2 {add = true} : memref<24576xf32, #tpu.memory_space<vmem>>[vector<16xi32>], vector<16xf32>,
      %parallel_loop3A_99 = arith.constant 0 : i32
      %parallel_loop3A_100 = vector.broadcast %parallel_loop3A_99 : i32 to vector<16xi32>
      %parallel_loop3A_101 = arith.addi %parallel_loop3A_80, %parallel_loop3A_100 : vector<16xi32>
      tpu.vector_store_idx %arg5[%parallel_loop3A_101], %parallel_loop3A_97 {add = true} : memref<24576xf32, #tpu.memory_space<vmem>>[vector<16xi32>], vector<16xf32>,
      tpu.vector_store_idx %arg5[%parallel_loop3A_86], %parallel_loop3A_97 {add = true} : memref<24576xf32, #tpu.memory_space<vmem>>[vector<16xi32>], vector<16xf32>,
      %parallel_loop3A_102 = arith.constant 16 : i32
      %parallel_loop3A_103 = arith.addi %parallel_loop3A_89, %parallel_loop3A_102 : i32
      %parallel_loop3A_104 = arith.index_cast %parallel_loop3A_103 : i32 to index
      %parallel_loop3A_105 = tpu.vector_load %arg4[%parallel_loop3A_104] {strides = array<i32>} : memref<65536xi32, #tpu.memory_space<vmem>>, vector<16xi32>,
      %parallel_loop3A_106 = arith.constant 1 : i32
      %parallel_loop3A_107 = vector.broadcast %parallel_loop3A_106 : i32 to vector<16xi32>
      %parallel_loop3A_108 = arith.minsi %parallel_loop3A_105, %parallel_loop3A_107 : vector<16xi32>
      %parallel_loop3A_109 = arith.sitofp %parallel_loop3A_108 : vector<16xi32> to vector<16xf32>
      %parallel_loop3A_110 = arith.addi %parallel_loop3A_75, %parallel_loop3A_105 : vector<16xi32>
      tpu.vector_store_idx %arg5[%parallel_loop3A_110], %broadcast_in_dim3A_2 {add = true} : memref<24576xf32, #tpu.memory_space<vmem>>[vector<16xi32>], vector<16xf32>,
      %parallel_loop3A_111 = arith.constant 1 : i32
      %parallel_loop3A_112 = vector.broadcast %parallel_loop3A_111 : i32 to vector<16xi32>
      %parallel_loop3A_113 = arith.addi %parallel_loop3A_80, %parallel_loop3A_112 : vector<16xi32>
      tpu.vector_store_idx %arg5[%parallel_loop3A_113], %parallel_loop3A_109 {add = true} : memref<24576xf32, #tpu.memory_space<vmem>>[vector<16xi32>], vector<16xf32>,
      tpu.vector_store_idx %arg5[%parallel_loop3A_86], %parallel_loop3A_109 {add = true} : memref<24576xf32, #tpu.memory_space<vmem>>[vector<16xi32>], vector<16xf32>,
      %parallel_loop3A_114 = arith.constant 32 : i32
      %parallel_loop3A_115 = arith.addi %parallel_loop3A_89, %parallel_loop3A_114 : i32
      %parallel_loop3A_116 = arith.index_cast %parallel_loop3A_115 : i32 to index
      %parallel_loop3A_117 = tpu.vector_load %arg4[%parallel_loop3A_116] {strides = array<i32>} : memref<65536xi32, #tpu.memory_space<vmem>>, vector<16xi32>,
      %parallel_loop3A_118 = arith.constant 1 : i32
      %parallel_loop3A_119 = vector.broadcast %parallel_loop3A_118 : i32 to vector<16xi32>
      %parallel_loop3A_120 = arith.minsi %parallel_loop3A_117, %parallel_loop3A_119 : vector<16xi32>
      %parallel_loop3A_121 = arith.sitofp %parallel_loop3A_120 : vector<16xi32> to vector<16xf32>
      %parallel_loop3A_122 = arith.addi %parallel_loop3A_75, %parallel_loop3A_117 : vector<16xi32>
      tpu.vector_store_idx %arg5[%parallel_loop3A_122], %broadcast_in_dim3A_2 {add = true} : memref<24576xf32, #tpu.memory_space<vmem>>[vector<16xi32>], vector<16xf32>,
      %parallel_loop3A_123 = arith.constant 2 : i32
      %parallel_loop3A_124 = vector.broadcast %parallel_loop3A_123 : i32 to vector<16xi32>
      %parallel_loop3A_125 = arith.addi %parallel_loop3A_80, %parallel_loop3A_124 : vector<16xi32>
      tpu.vector_store_idx %arg5[%parallel_loop3A_125], %parallel_loop3A_121 {add = true} : memref<24576xf32, #tpu.memory_space<vmem>>[vector<16xi32>], vector<16xf32>,
      tpu.vector_store_idx %arg5[%parallel_loop3A_86], %parallel_loop3A_121 {add = true} : memref<24576xf32, #tpu.memory_space<vmem>>[vector<16xi32>], vector<16xf32>,
      %parallel_loop3A_126 = arith.constant 48 : i32
      %parallel_loop3A_127 = arith.addi %parallel_loop3A_89, %parallel_loop3A_126 : i32
      %parallel_loop3A_128 = arith.index_cast %parallel_loop3A_127 : i32 to index
      %parallel_loop3A_129 = tpu.vector_load %arg4[%parallel_loop3A_128] {strides = array<i32>} : memref<65536xi32, #tpu.memory_space<vmem>>, vector<16xi32>,
      %parallel_loop3A_130 = arith.constant 1 : i32
      %parallel_loop3A_131 = vector.broadcast %parallel_loop3A_130 : i32 to vector<16xi32>
      %parallel_loop3A_132 = arith.minsi %parallel_loop3A_129, %parallel_loop3A_131 : vector<16xi32>
      %parallel_loop3A_133 = arith.sitofp %parallel_loop3A_132 : vector<16xi32> to vector<16xf32>
      %parallel_loop3A_134 = arith.addi %parallel_loop3A_75, %parallel_loop3A_129 : vector<16xi32>
      tpu.vector_store_idx %arg5[%parallel_loop3A_134], %broadcast_in_dim3A_2 {add = true} : memref<24576xf32, #tpu.memory_space<vmem>>[vector<16xi32>], vector<16xf32>,
      %parallel_loop3A_135 = arith.constant 3 : i32
      %parallel_loop3A_136 = vector.broadcast %parallel_loop3A_135 : i32 to vector<16xi32>
      %parallel_loop3A_137 = arith.addi %parallel_loop3A_80, %parallel_loop3A_136 : vector<16xi32>
      tpu.vector_store_idx %arg5[%parallel_loop3A_137], %parallel_loop3A_133 {add = true} : memref<24576xf32, #tpu.memory_space<vmem>>[vector<16xi32>], vector<16xf32>,
      tpu.vector_store_idx %arg5[%parallel_loop3A_86], %parallel_loop3A_133 {add = true} : memref<24576xf32, #tpu.memory_space<vmem>>[vector<16xi32>], vector<16xf32>,
      %parallel_loop3A_138 = arith.constant 64 : i32
      %parallel_loop3A_139 = arith.addi %parallel_loop3A_89, %parallel_loop3A_138 : i32
      %parallel_loop3A_140 = arith.index_cast %parallel_loop3A_139 : i32 to index
      %parallel_loop3A_141 = tpu.vector_load %arg4[%parallel_loop3A_140] {strides = array<i32>} : memref<65536xi32, #tpu.memory_space<vmem>>, vector<16xi32>,
      %parallel_loop3A_142 = arith.constant 1 : i32
      %parallel_loop3A_143 = vector.broadcast %parallel_loop3A_142 : i32 to vector<16xi32>
      %parallel_loop3A_144 = arith.minsi %parallel_loop3A_141, %parallel_loop3A_143 : vector<16xi32>
      %parallel_loop3A_145 = arith.sitofp %parallel_loop3A_144 : vector<16xi32> to vector<16xf32>
      %parallel_loop3A_146 = arith.addi %parallel_loop3A_75, %parallel_loop3A_141 : vector<16xi32>
      tpu.vector_store_idx %arg5[%parallel_loop3A_146], %broadcast_in_dim3A_2 {add = true} : memref<24576xf32, #tpu.memory_space<vmem>>[vector<16xi32>], vector<16xf32>,
      %parallel_loop3A_147 = arith.constant 4 : i32
      %parallel_loop3A_148 = vector.broadcast %parallel_loop3A_147 : i32 to vector<16xi32>
      %parallel_loop3A_149 = arith.addi %parallel_loop3A_80, %parallel_loop3A_148 : vector<16xi32>
      tpu.vector_store_idx %arg5[%parallel_loop3A_149], %parallel_loop3A_145 {add = true} : memref<24576xf32, #tpu.memory_space<vmem>>[vector<16xi32>], vector<16xf32>,
      tpu.vector_store_idx %arg5[%parallel_loop3A_86], %parallel_loop3A_145 {add = true} : memref<24576xf32, #tpu.memory_space<vmem>>[vector<16xi32>], vector<16xf32>,
      %parallel_loop3A_150 = arith.constant 80 : i32
      %parallel_loop3A_151 = arith.addi %parallel_loop3A_89, %parallel_loop3A_150 : i32
      %parallel_loop3A_152 = arith.index_cast %parallel_loop3A_151 : i32 to index
      %parallel_loop3A_153 = tpu.vector_load %arg4[%parallel_loop3A_152] {strides = array<i32>} : memref<65536xi32, #tpu.memory_space<vmem>>, vector<16xi32>,
      %parallel_loop3A_154 = arith.constant 1 : i32
      %parallel_loop3A_155 = vector.broadcast %parallel_loop3A_154 : i32 to vector<16xi32>
      %parallel_loop3A_156 = arith.minsi %parallel_loop3A_153, %parallel_loop3A_155 : vector<16xi32>
      %parallel_loop3A_157 = arith.sitofp %parallel_loop3A_156 : vector<16xi32> to vector<16xf32>
      %parallel_loop3A_158 = arith.addi %parallel_loop3A_75, %parallel_loop3A_153 : vector<16xi32>
      tpu.vector_store_idx %arg5[%parallel_loop3A_158], %broadcast_in_dim3A_2 {add = true} : memref<24576xf32, #tpu.memory_space<vmem>>[vector<16xi32>], vector<16xf32>,
      %parallel_loop3A_159 = arith.constant 5 : i32
      %parallel_loop3A_160 = vector.broadcast %parallel_loop3A_159 : i32 to vector<16xi32>
      %parallel_loop3A_161 = arith.addi %parallel_loop3A_80, %parallel_loop3A_160 : vector<16xi32>
      tpu.vector_store_idx %arg5[%parallel_loop3A_161], %parallel_loop3A_157 {add = true} : memref<24576xf32, #tpu.memory_space<vmem>>[vector<16xi32>], vector<16xf32>,
      tpu.vector_store_idx %arg5[%parallel_loop3A_86], %parallel_loop3A_157 {add = true} : memref<24576xf32, #tpu.memory_space<vmem>>[vector<16xi32>], vector<16xf32>,
      %parallel_loop3A_162 = arith.constant 96 : i32
      %parallel_loop3A_163 = arith.addi %parallel_loop3A_89, %parallel_loop3A_162 : i32
      %parallel_loop3A_164 = arith.index_cast %parallel_loop3A_163 : i32 to index
      %parallel_loop3A_165 = tpu.vector_load %arg4[%parallel_loop3A_164] {strides = array<i32>} : memref<65536xi32, #tpu.memory_space<vmem>>, vector<16xi32>,
      %parallel_loop3A_166 = arith.constant 1 : i32
      %parallel_loop3A_167 = vector.broadcast %parallel_loop3A_166 : i32 to vector<16xi32>
      %parallel_loop3A_168 = arith.minsi %parallel_loop3A_165, %parallel_loop3A_167 : vector<16xi32>
      %parallel_loop3A_169 = arith.sitofp %parallel_loop3A_168 : vector<16xi32> to vector<16xf32>
      %parallel_loop3A_170 = arith.addi %parallel_loop3A_75, %parallel_loop3A_165 : vector<16xi32>
      tpu.vector_store_idx %arg5[%parallel_loop3A_170], %broadcast_in_dim3A_2 {add = true} : memref<24576xf32, #tpu.memory_space<vmem>>[vector<16xi32>], vector<16xf32>,
      %parallel_loop3A_171 = arith.constant 6 : i32
      %parallel_loop3A_172 = vector.broadcast %parallel_loop3A_171 : i32 to vector<16xi32>
      %parallel_loop3A_173 = arith.addi %parallel_loop3A_80, %parallel_loop3A_172 : vector<16xi32>
      tpu.vector_store_idx %arg5[%parallel_loop3A_173], %parallel_loop3A_169 {add = true} : memref<24576xf32, #tpu.memory_space<vmem>>[vector<16xi32>], vector<16xf32>,
      tpu.vector_store_idx %arg5[%parallel_loop3A_86], %parallel_loop3A_169 {add = true} : memref<24576xf32, #tpu.memory_space<vmem>>[vector<16xi32>], vector<16xf32>,
      %parallel_loop3A_174 = arith.constant 112 : i32
      %parallel_loop3A_175 = arith.addi %parallel_loop3A_89, %parallel_loop3A_174 : i32
      %parallel_loop3A_176 = arith.index_cast %parallel_loop3A_175 : i32 to index
      %parallel_loop3A_177 = tpu.vector_load %arg4[%parallel_loop3A_176] {strides = array<i32>} : memref<65536xi32, #tpu.memory_space<vmem>>, vector<16xi32>,
      %parallel_loop3A_178 = arith.constant 1 : i32
      %parallel_loop3A_179 = vector.broadcast %parallel_loop3A_178 : i32 to vector<16xi32>
      %parallel_loop3A_180 = arith.minsi %parallel_loop3A_177, %parallel_loop3A_179 : vector<16xi32>
      %parallel_loop3A_181 = arith.sitofp %parallel_loop3A_180 : vector<16xi32> to vector<16xf32>
      %parallel_loop3A_182 = arith.addi %parallel_loop3A_75, %parallel_loop3A_177 : vector<16xi32>
      tpu.vector_store_idx %arg5[%parallel_loop3A_182], %broadcast_in_dim3A_2 {add = true} : memref<24576xf32, #tpu.memory_space<vmem>>[vector<16xi32>], vector<16xf32>,
      %parallel_loop3A_183 = arith.constant 7 : i32
      %parallel_loop3A_184 = vector.broadcast %parallel_loop3A_183 : i32 to vector<16xi32>
      %parallel_loop3A_185 = arith.addi %parallel_loop3A_80, %parallel_loop3A_184 : vector<16xi32>
      tpu.vector_store_idx %arg5[%parallel_loop3A_185], %parallel_loop3A_181 {add = true} : memref<24576xf32, #tpu.memory_space<vmem>>[vector<16xi32>], vector<16xf32>,
      tpu.vector_store_idx %arg5[%parallel_loop3A_86], %parallel_loop3A_181 {add = true} : memref<24576xf32, #tpu.memory_space<vmem>>[vector<16xi32>], vector<16xf32>,
    } {sc.loop_unroll_factor = 1 : i64, sc.parallel_access}
    %mul3A_15 = arith.constant 768 : i32
    %mul3A_16 = arith.muli %add3A_7, %mul3A_15 : i32
    "tpu.region"() ({
      %run_scoped3A = tpu.sem_alloc : memref<!tpu.dma_semaphore, #tpu.memory_space<semaphore_mem>>
      %dma_start3A = tpu.memref_slice %arg3[%mul3A_16] : memref<786432xf32, #tpu.memory_space<hbm>> -> memref<24576xf32, #tpu.memory_space<hbm>>
      %dma_start3A_31 = tpu.memref_slice %arg3[%mul3A_16] : memref<786432xf32, #tpu.memory_space<hbm>> -> memref<24576xf32, #tpu.memory_space<hbm>>
      tpu.enqueue_dma source(%arg5 : memref<24576xf32, #tpu.memory_space<vmem>>) target(%dma_start3A_31 : memref<24576xf32, #tpu.memory_space<hbm>>) target_semaphore(%run_scoped3A : memref<!tpu.dma_semaphore, #tpu.memory_space<semaphore_mem>>)
      %dma_wait3A = tpu.memref_slice %arg3[%mul3A_16] : memref<786432xf32, #tpu.memory_space<hbm>> -> memref<24576xf32, #tpu.memory_space<hbm>>
      %dma_wait3A_32 = tpu.memref_slice %arg3[%mul3A_16] : memref<786432xf32, #tpu.memory_space<hbm>> -> memref<24576xf32, #tpu.memory_space<hbm>>
      tpu.wait_dma2 semaphore(%run_scoped3A : memref<!tpu.dma_semaphore, #tpu.memory_space<semaphore_mem>>) src(%arg5 : memref<24576xf32, #tpu.memory_space<vmem>>) dst(%dma_wait3A_32 : memref<24576xf32, #tpu.memory_space<hbm>>)
      tpu.yield
    }) : () -> ()
    %mul3A_17 = arith.constant 64 : i32
    %mul3A_18 = arith.muli %arg1, %mul3A_17 : i32
    %add3A_19 = arith.constant 32 : i32
    %add3A_20 = arith.addi %mul3A_18, %add3A_19 : i32
    %mul3A_21 = arith.constant 2048 : i32
    %mul3A_22 = arith.muli %add3A_20, %mul3A_21 : i32
    "tpu.region"() ({
      %run_scoped3A = tpu.sem_alloc : memref<!tpu.dma_semaphore, #tpu.memory_space<semaphore_mem>>
      %dma_start3A = tpu.memref_slice %arg2[%mul3A_22] : memref<2097152xi32, #tpu.memory_space<hbm>> -> memref<65536xi32, #tpu.memory_space<hbm>>
      %dma_start3A_31 = tpu.memref_slice %arg2[%mul3A_22] : memref<2097152xi32, #tpu.memory_space<hbm>> -> memref<65536xi32, #tpu.memory_space<hbm>>
      tpu.enqueue_dma source(%dma_start3A_31 : memref<65536xi32, #tpu.memory_space<hbm>>) target(%arg4 : memref<65536xi32, #tpu.memory_space<vmem>>) target_semaphore(%run_scoped3A : memref<!tpu.dma_semaphore, #tpu.memory_space<semaphore_mem>>)
      %dma_wait3A = tpu.memref_slice %arg2[%mul3A_22] : memref<2097152xi32, #tpu.memory_space<hbm>> -> memref<65536xi32, #tpu.memory_space<hbm>>
      %dma_wait3A_32 = tpu.memref_slice %arg2[%mul3A_22] : memref<2097152xi32, #tpu.memory_space<hbm>> -> memref<65536xi32, #tpu.memory_space<hbm>>
      tpu.wait_dma2 semaphore(%run_scoped3A : memref<!tpu.dma_semaphore, #tpu.memory_space<semaphore_mem>>) src(%dma_wait3A_32 : memref<65536xi32, #tpu.memory_space<hbm>>) dst(%arg4 : memref<65536xi32, #tpu.memory_space<vmem>>)
      tpu.yield
    }) : () -> ()
    %parallel_loop3A_23 = arith.constant 0 : i32
    %parallel_loop3A_24 = arith.constant 1536 : i32
    %parallel_loop3A_25 = arith.constant 16 : i32
    scf.for %parallel_loop3A_31 = %parallel_loop3A_23 to %parallel_loop3A_24 step %parallel_loop3A_25  : i32 {
      %parallel_loop3A_32 = arith.constant 16 : i32
      %parallel_loop3A_33 = arith.muli %parallel_loop3A_31, %parallel_loop3A_32 : i32
      %parallel_loop3A_34 = tpu.assume_multiple %parallel_loop3A_33, 256 : i32
      %parallel_loop3A_35 = arith.constant 0 : i32
      %parallel_loop3A_36 = arith.addi %parallel_loop3A_34, %parallel_loop3A_35 : i32
      %parallel_loop3A_37 = arith.index_cast %parallel_loop3A_36 : i32 to index
      %parallel_loop3A_38 = tpu.vector_load %arg5[%parallel_loop3A_37] {strides = array<i32>} : memref<24576xf32, #tpu.memory_space<vmem>>, vector<16xf32>,
      tpu.vector_store %arg5[%parallel_loop3A_37], %broadcast_in_dim3A_4 {strides = array<i32>} : memref<24576xf32, #tpu.memory_space<vmem>>, vector<16xf32>,
      %parallel_loop3A_39 = arith.constant 16 : i32
      %parallel_loop3A_40 = arith.addi %parallel_loop3A_34, %parallel_loop3A_39 : i32
      %parallel_loop3A_41 = arith.index_cast %parallel_loop3A_40 : i32 to index
      %parallel_loop3A_42 = tpu.vector_load %arg5[%parallel_loop3A_41] {strides = array<i32>} : memref<24576xf32, #tpu.memory_space<vmem>>, vector<16xf32>,
      tpu.vector_store %arg5[%parallel_loop3A_41], %broadcast_in_dim3A_4 {strides = array<i32>} : memref<24576xf32, #tpu.memory_space<vmem>>, vector<16xf32>,
      %parallel_loop3A_43 = arith.constant 32 : i32
      %parallel_loop3A_44 = arith.addi %parallel_loop3A_34, %parallel_loop3A_43 : i32
      %parallel_loop3A_45 = arith.index_cast %parallel_loop3A_44 : i32 to index
      %parallel_loop3A_46 = tpu.vector_load %arg5[%parallel_loop3A_45] {strides = array<i32>} : memref<24576xf32, #tpu.memory_space<vmem>>, vector<16xf32>,
      tpu.vector_store %arg5[%parallel_loop3A_45], %broadcast_in_dim3A_4 {strides = array<i32>} : memref<24576xf32, #tpu.memory_space<vmem>>, vector<16xf32>,
      %parallel_loop3A_47 = arith.constant 48 : i32
      %parallel_loop3A_48 = arith.addi %parallel_loop3A_34, %parallel_loop3A_47 : i32
      %parallel_loop3A_49 = arith.index_cast %parallel_loop3A_48 : i32 to index
      %parallel_loop3A_50 = tpu.vector_load %arg5[%parallel_loop3A_49] {strides = array<i32>} : memref<24576xf32, #tpu.memory_space<vmem>>, vector<16xf32>,
      tpu.vector_store %arg5[%parallel_loop3A_49], %broadcast_in_dim3A_4 {strides = array<i32>} : memref<24576xf32, #tpu.memory_space<vmem>>, vector<16xf32>,
      %parallel_loop3A_51 = arith.constant 64 : i32
      %parallel_loop3A_52 = arith.addi %parallel_loop3A_34, %parallel_loop3A_51 : i32
      %parallel_loop3A_53 = arith.index_cast %parallel_loop3A_52 : i32 to index
      %parallel_loop3A_54 = tpu.vector_load %arg5[%parallel_loop3A_53] {strides = array<i32>} : memref<24576xf32, #tpu.memory_space<vmem>>, vector<16xf32>,
      tpu.vector_store %arg5[%parallel_loop3A_53], %broadcast_in_dim3A_4 {strides = array<i32>} : memref<24576xf32, #tpu.memory_space<vmem>>, vector<16xf32>,
      %parallel_loop3A_55 = arith.constant 80 : i32
      %parallel_loop3A_56 = arith.addi %parallel_loop3A_34, %parallel_loop3A_55 : i32
      %parallel_loop3A_57 = arith.index_cast %parallel_loop3A_56 : i32 to index
      %parallel_loop3A_58 = tpu.vector_load %arg5[%parallel_loop3A_57] {strides = array<i32>} : memref<24576xf32, #tpu.memory_space<vmem>>, vector<16xf32>,
      tpu.vector_store %arg5[%parallel_loop3A_57], %broadcast_in_dim3A_4 {strides = array<i32>} : memref<24576xf32, #tpu.memory_space<vmem>>, vector<16xf32>,
      %parallel_loop3A_59 = arith.constant 96 : i32
      %parallel_loop3A_60 = arith.addi %parallel_loop3A_34, %parallel_loop3A_59 : i32
      %parallel_loop3A_61 = arith.index_cast %parallel_loop3A_60 : i32 to index
      %parallel_loop3A_62 = tpu.vector_load %arg5[%parallel_loop3A_61] {strides = array<i32>} : memref<24576xf32, #tpu.memory_space<vmem>>, vector<16xf32>,
      tpu.vector_store %arg5[%parallel_loop3A_61], %broadcast_in_dim3A_4 {strides = array<i32>} : memref<24576xf32, #tpu.memory_space<vmem>>, vector<16xf32>,
      %parallel_loop3A_63 = arith.constant 112 : i32
      %parallel_loop3A_64 = arith.addi %parallel_loop3A_34, %parallel_loop3A_63 : i32
      %parallel_loop3A_65 = arith.index_cast %parallel_loop3A_64 : i32 to index
      %parallel_loop3A_66 = tpu.vector_load %arg5[%parallel_loop3A_65] {strides = array<i32>} : memref<24576xf32, #tpu.memory_space<vmem>>, vector<16xf32>,
      tpu.vector_store %arg5[%parallel_loop3A_65], %broadcast_in_dim3A_4 {strides = array<i32>} : memref<24576xf32, #tpu.memory_space<vmem>>, vector<16xf32>,
      %parallel_loop3A_67 = arith.constant 128 : i32
      %parallel_loop3A_68 = arith.addi %parallel_loop3A_34, %parallel_loop3A_67 : i32
      %parallel_loop3A_69 = arith.index_cast %parallel_loop3A_68 : i32 to index
      %parallel_loop3A_70 = tpu.vector_load %arg5[%parallel_loop3A_69] {strides = array<i32>} : memref<24576xf32, #tpu.memory_space<vmem>>, vector<16xf32>,
      tpu.vector_store %arg5[%parallel_loop3A_69], %broadcast_in_dim3A_4 {strides = array<i32>} : memref<24576xf32, #tpu.memory_space<vmem>>, vector<16xf32>,
      %parallel_loop3A_71 = arith.constant 144 : i32
      %parallel_loop3A_72 = arith.addi %parallel_loop3A_34, %parallel_loop3A_71 : i32
      %parallel_loop3A_73 = arith.index_cast %parallel_loop3A_72 : i32 to index
      %parallel_loop3A_74 = tpu.vector_load %arg5[%parallel_loop3A_73] {strides = array<i32>} : memref<24576xf32, #tpu.memory_space<vmem>>, vector<16xf32>,
      tpu.vector_store %arg5[%parallel_loop3A_73], %broadcast_in_dim3A_4 {strides = array<i32>} : memref<24576xf32, #tpu.memory_space<vmem>>, vector<16xf32>,
      %parallel_loop3A_75 = arith.constant 160 : i32
      %parallel_loop3A_76 = arith.addi %parallel_loop3A_34, %parallel_loop3A_75 : i32
      %parallel_loop3A_77 = arith.index_cast %parallel_loop3A_76 : i32 to index
      %parallel_loop3A_78 = tpu.vector_load %arg5[%parallel_loop3A_77] {strides = array<i32>} : memref<24576xf32, #tpu.memory_space<vmem>>, vector<16xf32>,
      tpu.vector_store %arg5[%parallel_loop3A_77], %broadcast_in_dim3A_4 {strides = array<i32>} : memref<24576xf32, #tpu.memory_space<vmem>>, vector<16xf32>,
      %parallel_loop3A_79 = arith.constant 176 : i32
      %parallel_loop3A_80 = arith.addi %parallel_loop3A_34, %parallel_loop3A_79 : i32
      %parallel_loop3A_81 = arith.index_cast %parallel_loop3A_80 : i32 to index
      %parallel_loop3A_82 = tpu.vector_load %arg5[%parallel_loop3A_81] {strides = array<i32>} : memref<24576xf32, #tpu.memory_space<vmem>>, vector<16xf32>,
      tpu.vector_store %arg5[%parallel_loop3A_81], %broadcast_in_dim3A_4 {strides = array<i32>} : memref<24576xf32, #tpu.memory_space<vmem>>, vector<16xf32>,
      %parallel_loop3A_83 = arith.constant 192 : i32
      %parallel_loop3A_84 = arith.addi %parallel_loop3A_34, %parallel_loop3A_83 : i32
      %parallel_loop3A_85 = arith.index_cast %parallel_loop3A_84 : i32 to index
      %parallel_loop3A_86 = tpu.vector_load %arg5[%parallel_loop3A_85] {strides = array<i32>} : memref<24576xf32, #tpu.memory_space<vmem>>, vector<16xf32>,
      tpu.vector_store %arg5[%parallel_loop3A_85], %broadcast_in_dim3A_4 {strides = array<i32>} : memref<24576xf32, #tpu.memory_space<vmem>>, vector<16xf32>,
      %parallel_loop3A_87 = arith.constant 208 : i32
      %parallel_loop3A_88 = arith.addi %parallel_loop3A_34, %parallel_loop3A_87 : i32
      %parallel_loop3A_89 = arith.index_cast %parallel_loop3A_88 : i32 to index
      %parallel_loop3A_90 = tpu.vector_load %arg5[%parallel_loop3A_89] {strides = array<i32>} : memref<24576xf32, #tpu.memory_space<vmem>>, vector<16xf32>,
      tpu.vector_store %arg5[%parallel_loop3A_89], %broadcast_in_dim3A_4 {strides = array<i32>} : memref<24576xf32, #tpu.memory_space<vmem>>, vector<16xf32>,
      %parallel_loop3A_91 = arith.constant 224 : i32
      %parallel_loop3A_92 = arith.addi %parallel_loop3A_34, %parallel_loop3A_91 : i32
      %parallel_loop3A_93 = arith.index_cast %parallel_loop3A_92 : i32 to index
      %parallel_loop3A_94 = tpu.vector_load %arg5[%parallel_loop3A_93] {strides = array<i32>} : memref<24576xf32, #tpu.memory_space<vmem>>, vector<16xf32>,
      tpu.vector_store %arg5[%parallel_loop3A_93], %broadcast_in_dim3A_4 {strides = array<i32>} : memref<24576xf32, #tpu.memory_space<vmem>>, vector<16xf32>,
      %parallel_loop3A_95 = arith.constant 240 : i32
      %parallel_loop3A_96 = arith.addi %parallel_loop3A_34, %parallel_loop3A_95 : i32
      %parallel_loop3A_97 = arith.index_cast %parallel_loop3A_96 : i32 to index
      %parallel_loop3A_98 = tpu.vector_load %arg5[%parallel_loop3A_97] {strides = array<i32>} : memref<24576xf32, #tpu.memory_space<vmem>>, vector<16xf32>,
      tpu.vector_store %arg5[%parallel_loop3A_97], %broadcast_in_dim3A_4 {strides = array<i32>} : memref<24576xf32, #tpu.memory_space<vmem>>, vector<16xf32>,
    } {sc.loop_unroll_factor = 1 : i64, sc.parallel_access}
    %parallel_loop3A_26 = arith.constant 0 : i32
    %parallel_loop3A_27 = arith.constant 4096 : i32
    %parallel_loop3A_28 = arith.constant 8 : i32
    scf.for %parallel_loop3A_31 = %parallel_loop3A_26 to %parallel_loop3A_27 step %parallel_loop3A_28  : i32 {
      %parallel_loop3A_32 = arith.constant 128 : i32
      %parallel_loop3A_33 = arith.divsi %parallel_loop3A_31, %parallel_loop3A_32 : i32
      %parallel_loop3A_34 = arith.constant 0 : i32
      %parallel_loop3A_35 = arith.cmpi sgt, %parallel_loop3A_31, %parallel_loop3A_34 : i32
      %parallel_loop3A_36 = arith.extui %parallel_loop3A_35 : i1 to i32
      %parallel_loop3A_37 = arith.constant 0 : i32
      %parallel_loop3A_38 = arith.cmpi slt, %parallel_loop3A_31, %parallel_loop3A_37 : i32
      %parallel_loop3A_39 = arith.extui %parallel_loop3A_38 : i1 to i32
      %parallel_loop3A_40 = arith.subi %parallel_loop3A_36, %parallel_loop3A_39 : i32
      %parallel_loop3A_41 = arith.constant 0 : i32
      %parallel_loop3A_42 = arith.cmpi sgt, %parallel_loop3A_32, %parallel_loop3A_41 : i32
      %parallel_loop3A_43 = arith.extui %parallel_loop3A_42 : i1 to i32
      %parallel_loop3A_44 = arith.constant 0 : i32
      %parallel_loop3A_45 = arith.cmpi slt, %parallel_loop3A_32, %parallel_loop3A_44 : i32
      %parallel_loop3A_46 = arith.extui %parallel_loop3A_45 : i1 to i32
      %parallel_loop3A_47 = arith.subi %parallel_loop3A_43, %parallel_loop3A_46 : i32
      %parallel_loop3A_48 = arith.cmpi ne, %parallel_loop3A_40, %parallel_loop3A_47 : i32
      %parallel_loop3A_49 = arith.remsi %parallel_loop3A_31, %parallel_loop3A_32 : i32
      %parallel_loop3A_50 = arith.constant 0 : i32
      %parallel_loop3A_51 = arith.cmpi ne, %parallel_loop3A_49, %parallel_loop3A_50 : i32
      %parallel_loop3A_52 = arith.andi %parallel_loop3A_48, %parallel_loop3A_51 : i1
      %parallel_loop3A_53 = arith.constant 1 : i32
      %parallel_loop3A_54 = arith.subi %parallel_loop3A_33, %parallel_loop3A_53 : i32
      %parallel_loop3A_55 = arith.select %parallel_loop3A_52, %parallel_loop3A_54, %parallel_loop3A_33 : i32
      %parallel_loop3A_56 = arith.constant 16 : i32
      %parallel_loop3A_57 = arith.constant 0 : i32
      %parallel_loop3A_58 = arith.cmpi eq, %parallel_loop3A_56, %parallel_loop3A_57 : i32
      %parallel_loop3A_59 = arith.constant 1 : i32
      %parallel_loop3A_60 = arith.select %parallel_loop3A_58, %parallel_loop3A_59, %parallel_loop3A_56 : i32
      %parallel_loop3A_61 = arith.remsi %parallel_loop3A_31, %parallel_loop3A_60 : i32
      %parallel_loop3A_62 = arith.constant 0 : i32
      %parallel_loop3A_63 = arith.cmpi ne, %parallel_loop3A_61, %parallel_loop3A_62 : i32
      %parallel_loop3A_64 = arith.constant 0 : i32
      %parallel_loop3A_65 = arith.cmpi slt, %parallel_loop3A_61, %parallel_loop3A_64 : i32
      %parallel_loop3A_66 = arith.constant 0 : i32
      %parallel_loop3A_67 = arith.cmpi slt, %parallel_loop3A_60, %parallel_loop3A_66 : i32
      %parallel_loop3A_68 = arith.xori %parallel_loop3A_65, %parallel_loop3A_67 : i1
      %parallel_loop3A_69 = arith.andi %parallel_loop3A_68, %parallel_loop3A_63 : i1
      %parallel_loop3A_70 = arith.addi %parallel_loop3A_61, %parallel_loop3A_60 : i32
      %parallel_loop3A_71 = arith.select %parallel_loop3A_69, %parallel_loop3A_70, %parallel_loop3A_61 : i32
      %parallel_loop3A_72 = arith.constant 768 : i32
      %parallel_loop3A_73 = arith.muli %parallel_loop3A_55, %parallel_loop3A_72 : i32
      %parallel_loop3A_74 = vector.broadcast %parallel_loop3A_73 : i32 to vector<16xi32>
      %parallel_loop3A_75 = arith.addi %mul3A_1, %parallel_loop3A_74 : vector<16xi32>
      %parallel_loop3A_76 = arith.constant 256 : i32
      %parallel_loop3A_77 = vector.broadcast %parallel_loop3A_76 : i32 to vector<16xi32>
      %parallel_loop3A_78 = arith.addi %parallel_loop3A_75, %parallel_loop3A_77 : vector<16xi32>
      %parallel_loop3A_79 = vector.broadcast %parallel_loop3A_71 : i32 to vector<16xi32>
      %parallel_loop3A_80 = arith.addi %parallel_loop3A_78, %parallel_loop3A_79 : vector<16xi32>
      %parallel_loop3A_81 = arith.constant 768 : i32
      %parallel_loop3A_82 = arith.muli %parallel_loop3A_55, %parallel_loop3A_81 : i32
      %parallel_loop3A_83 = arith.constant 512 : i32
      %parallel_loop3A_84 = arith.addi %parallel_loop3A_82, %parallel_loop3A_83 : i32
      %parallel_loop3A_85 = vector.broadcast %parallel_loop3A_84 : i32 to vector<16xi32>
      %parallel_loop3A_86 = arith.addi %iota3A, %parallel_loop3A_85 : vector<16xi32>
      %parallel_loop3A_87 = arith.constant 16 : i32
      %parallel_loop3A_88 = arith.muli %parallel_loop3A_31, %parallel_loop3A_87 : i32
      %parallel_loop3A_89 = tpu.assume_multiple %parallel_loop3A_88, 128 : i32
      %parallel_loop3A_90 = arith.constant 0 : i32
      %parallel_loop3A_91 = arith.addi %parallel_loop3A_89, %parallel_loop3A_90 : i32
      %parallel_loop3A_92 = arith.index_cast %parallel_loop3A_91 : i32 to index
      %parallel_loop3A_93 = tpu.vector_load %arg4[%parallel_loop3A_92] {strides = array<i32>} : memref<65536xi32, #tpu.memory_space<vmem>>, vector<16xi32>,
      %parallel_loop3A_94 = arith.constant 1 : i32
      %parallel_loop3A_95 = vector.broadcast %parallel_loop3A_94 : i32 to vector<16xi32>
      %parallel_loop3A_96 = arith.minsi %parallel_loop3A_93, %parallel_loop3A_95 : vector<16xi32>
      %parallel_loop3A_97 = arith.sitofp %parallel_loop3A_96 : vector<16xi32> to vector<16xf32>
      %parallel_loop3A_98 = arith.addi %parallel_loop3A_75, %parallel_loop3A_93 : vector<16xi32>
      tpu.vector_store_idx %arg5[%parallel_loop3A_98], %broadcast_in_dim3A_2 {add = true} : memref<24576xf32, #tpu.memory_space<vmem>>[vector<16xi32>], vector<16xf32>,
      %parallel_loop3A_99 = arith.constant 0 : i32
      %parallel_loop3A_100 = vector.broadcast %parallel_loop3A_99 : i32 to vector<16xi32>
      %parallel_loop3A_101 = arith.addi %parallel_loop3A_80, %parallel_loop3A_100 : vector<16xi32>
      tpu.vector_store_idx %arg5[%parallel_loop3A_101], %parallel_loop3A_97 {add = true} : memref<24576xf32, #tpu.memory_space<vmem>>[vector<16xi32>], vector<16xf32>,
      tpu.vector_store_idx %arg5[%parallel_loop3A_86], %parallel_loop3A_97 {add = true} : memref<24576xf32, #tpu.memory_space<vmem>>[vector<16xi32>], vector<16xf32>,
      %parallel_loop3A_102 = arith.constant 16 : i32
      %parallel_loop3A_103 = arith.addi %parallel_loop3A_89, %parallel_loop3A_102 : i32
      %parallel_loop3A_104 = arith.index_cast %parallel_loop3A_103 : i32 to index
      %parallel_loop3A_105 = tpu.vector_load %arg4[%parallel_loop3A_104] {strides = array<i32>} : memref<65536xi32, #tpu.memory_space<vmem>>, vector<16xi32>,
      %parallel_loop3A_106 = arith.constant 1 : i32
      %parallel_loop3A_107 = vector.broadcast %parallel_loop3A_106 : i32 to vector<16xi32>
      %parallel_loop3A_108 = arith.minsi %parallel_loop3A_105, %parallel_loop3A_107 : vector<16xi32>
      %parallel_loop3A_109 = arith.sitofp %parallel_loop3A_108 : vector<16xi32> to vector<16xf32>
      %parallel_loop3A_110 = arith.addi %parallel_loop3A_75, %parallel_loop3A_105 : vector<16xi32>
      tpu.vector_store_idx %arg5[%parallel_loop3A_110], %broadcast_in_dim3A_2 {add = true} : memref<24576xf32, #tpu.memory_space<vmem>>[vector<16xi32>], vector<16xf32>,
      %parallel_loop3A_111 = arith.constant 1 : i32
      %parallel_loop3A_112 = vector.broadcast %parallel_loop3A_111 : i32 to vector<16xi32>
      %parallel_loop3A_113 = arith.addi %parallel_loop3A_80, %parallel_loop3A_112 : vector<16xi32>
      tpu.vector_store_idx %arg5[%parallel_loop3A_113], %parallel_loop3A_109 {add = true} : memref<24576xf32, #tpu.memory_space<vmem>>[vector<16xi32>], vector<16xf32>,
      tpu.vector_store_idx %arg5[%parallel_loop3A_86], %parallel_loop3A_109 {add = true} : memref<24576xf32, #tpu.memory_space<vmem>>[vector<16xi32>], vector<16xf32>,
      %parallel_loop3A_114 = arith.constant 32 : i32
      %parallel_loop3A_115 = arith.addi %parallel_loop3A_89, %parallel_loop3A_114 : i32
      %parallel_loop3A_116 = arith.index_cast %parallel_loop3A_115 : i32 to index
      %parallel_loop3A_117 = tpu.vector_load %arg4[%parallel_loop3A_116] {strides = array<i32>} : memref<65536xi32, #tpu.memory_space<vmem>>, vector<16xi32>,
      %parallel_loop3A_118 = arith.constant 1 : i32
      %parallel_loop3A_119 = vector.broadcast %parallel_loop3A_118 : i32 to vector<16xi32>
      %parallel_loop3A_120 = arith.minsi %parallel_loop3A_117, %parallel_loop3A_119 : vector<16xi32>
      %parallel_loop3A_121 = arith.sitofp %parallel_loop3A_120 : vector<16xi32> to vector<16xf32>
      %parallel_loop3A_122 = arith.addi %parallel_loop3A_75, %parallel_loop3A_117 : vector<16xi32>
      tpu.vector_store_idx %arg5[%parallel_loop3A_122], %broadcast_in_dim3A_2 {add = true} : memref<24576xf32, #tpu.memory_space<vmem>>[vector<16xi32>], vector<16xf32>,
      %parallel_loop3A_123 = arith.constant 2 : i32
      %parallel_loop3A_124 = vector.broadcast %parallel_loop3A_123 : i32 to vector<16xi32>
      %parallel_loop3A_125 = arith.addi %parallel_loop3A_80, %parallel_loop3A_124 : vector<16xi32>
      tpu.vector_store_idx %arg5[%parallel_loop3A_125], %parallel_loop3A_121 {add = true} : memref<24576xf32, #tpu.memory_space<vmem>>[vector<16xi32>], vector<16xf32>,
      tpu.vector_store_idx %arg5[%parallel_loop3A_86], %parallel_loop3A_121 {add = true} : memref<24576xf32, #tpu.memory_space<vmem>>[vector<16xi32>], vector<16xf32>,
      %parallel_loop3A_126 = arith.constant 48 : i32
      %parallel_loop3A_127 = arith.addi %parallel_loop3A_89, %parallel_loop3A_126 : i32
      %parallel_loop3A_128 = arith.index_cast %parallel_loop3A_127 : i32 to index
      %parallel_loop3A_129 = tpu.vector_load %arg4[%parallel_loop3A_128] {strides = array<i32>} : memref<65536xi32, #tpu.memory_space<vmem>>, vector<16xi32>,
      %parallel_loop3A_130 = arith.constant 1 : i32
      %parallel_loop3A_131 = vector.broadcast %parallel_loop3A_130 : i32 to vector<16xi32>
      %parallel_loop3A_132 = arith.minsi %parallel_loop3A_129, %parallel_loop3A_131 : vector<16xi32>
      %parallel_loop3A_133 = arith.sitofp %parallel_loop3A_132 : vector<16xi32> to vector<16xf32>
      %parallel_loop3A_134 = arith.addi %parallel_loop3A_75, %parallel_loop3A_129 : vector<16xi32>
      tpu.vector_store_idx %arg5[%parallel_loop3A_134], %broadcast_in_dim3A_2 {add = true} : memref<24576xf32, #tpu.memory_space<vmem>>[vector<16xi32>], vector<16xf32>,
      %parallel_loop3A_135 = arith.constant 3 : i32
      %parallel_loop3A_136 = vector.broadcast %parallel_loop3A_135 : i32 to vector<16xi32>
      %parallel_loop3A_137 = arith.addi %parallel_loop3A_80, %parallel_loop3A_136 : vector<16xi32>
      tpu.vector_store_idx %arg5[%parallel_loop3A_137], %parallel_loop3A_133 {add = true} : memref<24576xf32, #tpu.memory_space<vmem>>[vector<16xi32>], vector<16xf32>,
      tpu.vector_store_idx %arg5[%parallel_loop3A_86], %parallel_loop3A_133 {add = true} : memref<24576xf32, #tpu.memory_space<vmem>>[vector<16xi32>], vector<16xf32>,
      %parallel_loop3A_138 = arith.constant 64 : i32
      %parallel_loop3A_139 = arith.addi %parallel_loop3A_89, %parallel_loop3A_138 : i32
      %parallel_loop3A_140 = arith.index_cast %parallel_loop3A_139 : i32 to index
      %parallel_loop3A_141 = tpu.vector_load %arg4[%parallel_loop3A_140] {strides = array<i32>} : memref<65536xi32, #tpu.memory_space<vmem>>, vector<16xi32>,
      %parallel_loop3A_142 = arith.constant 1 : i32
      %parallel_loop3A_143 = vector.broadcast %parallel_loop3A_142 : i32 to vector<16xi32>
      %parallel_loop3A_144 = arith.minsi %parallel_loop3A_141, %parallel_loop3A_143 : vector<16xi32>
      %parallel_loop3A_145 = arith.sitofp %parallel_loop3A_144 : vector<16xi32> to vector<16xf32>
      %parallel_loop3A_146 = arith.addi %parallel_loop3A_75, %parallel_loop3A_141 : vector<16xi32>
      tpu.vector_store_idx %arg5[%parallel_loop3A_146], %broadcast_in_dim3A_2 {add = true} : memref<24576xf32, #tpu.memory_space<vmem>>[vector<16xi32>], vector<16xf32>,
      %parallel_loop3A_147 = arith.constant 4 : i32
      %parallel_loop3A_148 = vector.broadcast %parallel_loop3A_147 : i32 to vector<16xi32>
      %parallel_loop3A_149 = arith.addi %parallel_loop3A_80, %parallel_loop3A_148 : vector<16xi32>
      tpu.vector_store_idx %arg5[%parallel_loop3A_149], %parallel_loop3A_145 {add = true} : memref<24576xf32, #tpu.memory_space<vmem>>[vector<16xi32>], vector<16xf32>,
      tpu.vector_store_idx %arg5[%parallel_loop3A_86], %parallel_loop3A_145 {add = true} : memref<24576xf32, #tpu.memory_space<vmem>>[vector<16xi32>], vector<16xf32>,
      %parallel_loop3A_150 = arith.constant 80 : i32
      %parallel_loop3A_151 = arith.addi %parallel_loop3A_89, %parallel_loop3A_150 : i32
      %parallel_loop3A_152 = arith.index_cast %parallel_loop3A_151 : i32 to index
      %parallel_loop3A_153 = tpu.vector_load %arg4[%parallel_loop3A_152] {strides = array<i32>} : memref<65536xi32, #tpu.memory_space<vmem>>, vector<16xi32>,
      %parallel_loop3A_154 = arith.constant 1 : i32
      %parallel_loop3A_155 = vector.broadcast %parallel_loop3A_154 : i32 to vector<16xi32>
      %parallel_loop3A_156 = arith.minsi %parallel_loop3A_153, %parallel_loop3A_155 : vector<16xi32>
      %parallel_loop3A_157 = arith.sitofp %parallel_loop3A_156 : vector<16xi32> to vector<16xf32>
      %parallel_loop3A_158 = arith.addi %parallel_loop3A_75, %parallel_loop3A_153 : vector<16xi32>
      tpu.vector_store_idx %arg5[%parallel_loop3A_158], %broadcast_in_dim3A_2 {add = true} : memref<24576xf32, #tpu.memory_space<vmem>>[vector<16xi32>], vector<16xf32>,
      %parallel_loop3A_159 = arith.constant 5 : i32
      %parallel_loop3A_160 = vector.broadcast %parallel_loop3A_159 : i32 to vector<16xi32>
      %parallel_loop3A_161 = arith.addi %parallel_loop3A_80, %parallel_loop3A_160 : vector<16xi32>
      tpu.vector_store_idx %arg5[%parallel_loop3A_161], %parallel_loop3A_157 {add = true} : memref<24576xf32, #tpu.memory_space<vmem>>[vector<16xi32>], vector<16xf32>,
      tpu.vector_store_idx %arg5[%parallel_loop3A_86], %parallel_loop3A_157 {add = true} : memref<24576xf32, #tpu.memory_space<vmem>>[vector<16xi32>], vector<16xf32>,
      %parallel_loop3A_162 = arith.constant 96 : i32
      %parallel_loop3A_163 = arith.addi %parallel_loop3A_89, %parallel_loop3A_162 : i32
      %parallel_loop3A_164 = arith.index_cast %parallel_loop3A_163 : i32 to index
      %parallel_loop3A_165 = tpu.vector_load %arg4[%parallel_loop3A_164] {strides = array<i32>} : memref<65536xi32, #tpu.memory_space<vmem>>, vector<16xi32>,
      %parallel_loop3A_166 = arith.constant 1 : i32
      %parallel_loop3A_167 = vector.broadcast %parallel_loop3A_166 : i32 to vector<16xi32>
      %parallel_loop3A_168 = arith.minsi %parallel_loop3A_165, %parallel_loop3A_167 : vector<16xi32>
      %parallel_loop3A_169 = arith.sitofp %parallel_loop3A_168 : vector<16xi32> to vector<16xf32>
      %parallel_loop3A_170 = arith.addi %parallel_loop3A_75, %parallel_loop3A_165 : vector<16xi32>
      tpu.vector_store_idx %arg5[%parallel_loop3A_170], %broadcast_in_dim3A_2 {add = true} : memref<24576xf32, #tpu.memory_space<vmem>>[vector<16xi32>], vector<16xf32>,
      %parallel_loop3A_171 = arith.constant 6 : i32
      %parallel_loop3A_172 = vector.broadcast %parallel_loop3A_171 : i32 to vector<16xi32>
      %parallel_loop3A_173 = arith.addi %parallel_loop3A_80, %parallel_loop3A_172 : vector<16xi32>
      tpu.vector_store_idx %arg5[%parallel_loop3A_173], %parallel_loop3A_169 {add = true} : memref<24576xf32, #tpu.memory_space<vmem>>[vector<16xi32>], vector<16xf32>,
      tpu.vector_store_idx %arg5[%parallel_loop3A_86], %parallel_loop3A_169 {add = true} : memref<24576xf32, #tpu.memory_space<vmem>>[vector<16xi32>], vector<16xf32>,
      %parallel_loop3A_174 = arith.constant 112 : i32
      %parallel_loop3A_175 = arith.addi %parallel_loop3A_89, %parallel_loop3A_174 : i32
      %parallel_loop3A_176 = arith.index_cast %parallel_loop3A_175 : i32 to index
      %parallel_loop3A_177 = tpu.vector_load %arg4[%parallel_loop3A_176] {strides = array<i32>} : memref<65536xi32, #tpu.memory_space<vmem>>, vector<16xi32>,
      %parallel_loop3A_178 = arith.constant 1 : i32
      %parallel_loop3A_179 = vector.broadcast %parallel_loop3A_178 : i32 to vector<16xi32>
      %parallel_loop3A_180 = arith.minsi %parallel_loop3A_177, %parallel_loop3A_179 : vector<16xi32>
      %parallel_loop3A_181 = arith.sitofp %parallel_loop3A_180 : vector<16xi32> to vector<16xf32>
      %parallel_loop3A_182 = arith.addi %parallel_loop3A_75, %parallel_loop3A_177 : vector<16xi32>
      tpu.vector_store_idx %arg5[%parallel_loop3A_182], %broadcast_in_dim3A_2 {add = true} : memref<24576xf32, #tpu.memory_space<vmem>>[vector<16xi32>], vector<16xf32>,
      %parallel_loop3A_183 = arith.constant 7 : i32
      %parallel_loop3A_184 = vector.broadcast %parallel_loop3A_183 : i32 to vector<16xi32>
      %parallel_loop3A_185 = arith.addi %parallel_loop3A_80, %parallel_loop3A_184 : vector<16xi32>
      tpu.vector_store_idx %arg5[%parallel_loop3A_185], %parallel_loop3A_181 {add = true} : memref<24576xf32, #tpu.memory_space<vmem>>[vector<16xi32>], vector<16xf32>,
      tpu.vector_store_idx %arg5[%parallel_loop3A_86], %parallel_loop3A_181 {add = true} : memref<24576xf32, #tpu.memory_space<vmem>>[vector<16xi32>], vector<16xf32>,
    } {sc.loop_unroll_factor = 1 : i64, sc.parallel_access}
    %mul3A_29 = arith.constant 768 : i32
    %mul3A_30 = arith.muli %add3A_20, %mul3A_29 : i32
    "tpu.region"() ({
      %run_scoped3A = tpu.sem_alloc : memref<!tpu.dma_semaphore, #tpu.memory_space<semaphore_mem>>
      %dma_start3A = tpu.memref_slice %arg3[%mul3A_30] : memref<786432xf32, #tpu.memory_space<hbm>> -> memref<24576xf32, #tpu.memory_space<hbm>>
      %dma_start3A_31 = tpu.memref_slice %arg3[%mul3A_30] : memref<786432xf32, #tpu.memory_space<hbm>> -> memref<24576xf32, #tpu.memory_space<hbm>>
      tpu.enqueue_dma source(%arg5 : memref<24576xf32, #tpu.memory_space<vmem>>) target(%dma_start3A_31 : memref<24576xf32, #tpu.memory_space<hbm>>) target_semaphore(%run_scoped3A : memref<!tpu.dma_semaphore, #tpu.memory_space<semaphore_mem>>)
      %dma_wait3A = tpu.memref_slice %arg3[%mul3A_30] : memref<786432xf32, #tpu.memory_space<hbm>> -> memref<24576xf32, #tpu.memory_space<hbm>>
      %dma_wait3A_32 = tpu.memref_slice %arg3[%mul3A_30] : memref<786432xf32, #tpu.memory_space<hbm>> -> memref<24576xf32, #tpu.memory_space<hbm>>
      tpu.wait_dma2 semaphore(%run_scoped3A : memref<!tpu.dma_semaphore, #tpu.memory_space<semaphore_mem>>) src(%arg5 : memref<24576xf32, #tpu.memory_space<vmem>>) dst(%dma_wait3A_32 : memref<24576xf32, #tpu.memory_space<hbm>>)
      tpu.yield
    }) : () -> ()
    return
  }
}

module attributes {stable_mosaic.version = 14 : i64} {
  func.func @_combine_body(%arg0: memref<1024x768xf32, #tpu.memory_space<vmem>>, %arg1: memref<1024x64xf32, #tpu.memory_space<vmem>>, %arg2: memref<16x64xf32, #tpu.memory_space<vmem>>, %arg3: memref<16x64xf32, #tpu.memory_space<vmem>>, %arg4: memref<10x64xf32, #tpu.memory_space<vmem>>, %arg5: memref<128x128xf32, #tpu.memory_space<vmem>>, %arg6: memref<1x128xf32, #tpu.memory_space<vmem>>, %arg7: memref<1024x128xf32, #tpu.memory_space<vmem>>) attributes {dimension_semantics = [], scalar_prefetch = 0 : i64, scratch_operands = 0 : i64, tpu.core_type = #tpu.core_type<tc>} {
    %get3A = arith.constant 0 : index
    %get3A_0 = arith.constant 0 : index
    %get3A_1 = vector.load %arg0[%get3A, %get3A_0] : memref<1024x768xf32, #tpu.memory_space<vmem>>, vector<1024x768xf32>
    %iota3A = tpu.iota {dimensions = array<i32: 0>} : vector<768x48xi32>
    %iota3A_2 = tpu.iota {dimensions = array<i32: 1>} : vector<768x48xi32>
    %jit3A = arith.constant 16 : i32
    %eq3A = arith.constant 0 : i32
    %eq3A_3 = arith.cmpi eq, %jit3A, %eq3A : i32
    %jit3A_4 = arith.constant 1 : i32
    %select_n3A = arith.select %eq3A_3, %jit3A_4, %jit3A : i32
    %rem3A = vector.broadcast %select_n3A : i32 to vector<768x48xi32>
    %rem3A_5 = arith.remsi %iota3A, %rem3A : vector<768x48xi32>
    %ne3A = arith.constant 0 : i32
    %ne3A_6 = vector.broadcast %ne3A : i32 to vector<768x48xi32>
    %ne3A_7 = arith.cmpi ne, %rem3A_5, %ne3A_6 : vector<768x48xi32>
    %lt3A = arith.constant 0 : i32
    %lt3A_8 = vector.broadcast %lt3A : i32 to vector<768x48xi32>
    %lt3A_9 = arith.cmpi slt, %rem3A_5, %lt3A_8 : vector<768x48xi32>
    %lt3A_10 = arith.constant 0 : i32
    %lt3A_11 = arith.cmpi slt, %select_n3A, %lt3A_10 : i32
    %ne3A_12 = vector.broadcast %lt3A_11 : i1 to vector<768x48xi1>
    %ne3A_13 = vector.broadcast %ne3A_12 : vector<768x48xi1> to vector<768x48xi1>
    %ne3A_14 = arith.xori %lt3A_9, %ne3A_13 : vector<768x48xi1>
    %and3A = arith.andi %ne3A_14, %ne3A_7 : vector<768x48xi1>
    %add3A = vector.broadcast %select_n3A : i32 to vector<768x48xi32>
    %add3A_15 = arith.addi %rem3A_5, %add3A : vector<768x48xi32>
    %select_n3A_16 = arith.select %and3A, %add3A_15, %rem3A_5 : vector<768x48xi1>, vector<768x48xi32>
    %eq3A_17 = arith.cmpi eq, %select_n3A_16, %iota3A_2 : vector<768x48xi32>
    %convert_element_type3A = arith.extui %eq3A_17 : vector<768x48xi1> to vector<768x48xi32>
    %convert_element_type3A_18 = arith.sitofp %convert_element_type3A : vector<768x48xi32> to vector<768x48xf32>
    %lt3A_19 = arith.constant 256 : i32
    %lt3A_20 = vector.broadcast %lt3A_19 : i32 to vector<768x48xi32>
    %lt3A_21 = arith.cmpi slt, %iota3A, %lt3A_20 : vector<768x48xi32>
    %convert_element_type3A_22 = arith.extui %lt3A_21 : vector<768x48xi1> to vector<768x48xi32>
    %convert_element_type3A_23 = arith.sitofp %convert_element_type3A_22 : vector<768x48xi32> to vector<768x48xf32>
    %mul3A = arith.mulf %convert_element_type3A_18, %convert_element_type3A_23 : vector<768x48xf32>
    %sub3A = arith.constant 16 : i32
    %sub3A_24 = vector.broadcast %sub3A : i32 to vector<768x48xi32>
    %sub3A_25 = arith.subi %iota3A_2, %sub3A_24 : vector<768x48xi32>
    %eq3A_26 = arith.cmpi eq, %select_n3A_16, %sub3A_25 : vector<768x48xi32>
    %convert_element_type3A_27 = arith.extui %eq3A_26 : vector<768x48xi1> to vector<768x48xi32>
    %convert_element_type3A_28 = arith.sitofp %convert_element_type3A_27 : vector<768x48xi32> to vector<768x48xf32>
    %ge3A = arith.constant 256 : i32
    %ge3A_29 = vector.broadcast %ge3A : i32 to vector<768x48xi32>
    %ge3A_30 = arith.cmpi sge, %iota3A, %ge3A_29 : vector<768x48xi32>
    %lt3A_31 = arith.constant 512 : i32
    %lt3A_32 = vector.broadcast %lt3A_31 : i32 to vector<768x48xi32>
    %lt3A_33 = arith.cmpi slt, %iota3A, %lt3A_32 : vector<768x48xi32>
    %and3A_34 = arith.andi %ge3A_30, %lt3A_33 : vector<768x48xi1>
    %convert_element_type3A_35 = arith.extui %and3A_34 : vector<768x48xi1> to vector<768x48xi32>
    %convert_element_type3A_36 = arith.sitofp %convert_element_type3A_35 : vector<768x48xi32> to vector<768x48xf32>
    %mul3A_37 = arith.mulf %convert_element_type3A_28, %convert_element_type3A_36 : vector<768x48xf32>
    %sub3A_38 = arith.constant 512 : i32
    %sub3A_39 = vector.broadcast %sub3A_38 : i32 to vector<768x48xi32>
    %sub3A_40 = arith.subi %iota3A, %sub3A_39 : vector<768x48xi32>
    %sub3A_41 = arith.constant 32 : i32
    %sub3A_42 = vector.broadcast %sub3A_41 : i32 to vector<768x48xi32>
    %sub3A_43 = arith.subi %iota3A_2, %sub3A_42 : vector<768x48xi32>
    %eq3A_44 = arith.cmpi eq, %sub3A_40, %sub3A_43 : vector<768x48xi32>
    %convert_element_type3A_45 = arith.extui %eq3A_44 : vector<768x48xi1> to vector<768x48xi32>
    %convert_element_type3A_46 = arith.sitofp %convert_element_type3A_45 : vector<768x48xi32> to vector<768x48xf32>
    %ge3A_47 = arith.constant 512 : i32
    %ge3A_48 = vector.broadcast %ge3A_47 : i32 to vector<768x48xi32>
    %ge3A_49 = arith.cmpi sge, %iota3A, %ge3A_48 : vector<768x48xi32>
    %convert_element_type3A_50 = arith.extui %ge3A_49 : vector<768x48xi1> to vector<768x48xi32>
    %convert_element_type3A_51 = arith.sitofp %convert_element_type3A_50 : vector<768x48xi32> to vector<768x48xf32>
    %mul3A_52 = arith.mulf %convert_element_type3A_46, %convert_element_type3A_51 : vector<768x48xf32>
    %add3A_53 = arith.addf %mul3A, %mul3A_37 : vector<768x48xf32>
    %add3A_54 = arith.addf %add3A_53, %mul3A_52 : vector<768x48xf32>
    %dot_general3A = arith.constant dense<0.000000e+00> : vector<1024x48xf32>
    %dot_general3A_55 = tpu.matmul %get3A_1, %add3A_54, %dot_general3A {dimension_numbers = #tpu.dot_dimension_numbers<[1], [0], [0], [1], [0, 0, 1, 1], [], []>, transpose_lhs_hint = false} : vector<1024x768xf32>, vector<768x48xf32>, vector<1024x48xf32> -> vector<1024x48xf32>
    %slice3A = vector.extract_strided_slice %dot_general3A_55 {offsets = [0, 0], sizes = [1024, 16], strides = [1, 1]} : vector<1024x48xf32> to vector<1024x16xf32>
    %slice3A_56 = vector.extract_strided_slice %dot_general3A_55 {offsets = [0, 16], sizes = [1024, 16], strides = [1, 1]} : vector<1024x48xf32> to vector<1024x16xf32>
    %slice3A_57 = vector.extract_strided_slice %dot_general3A_55 {offsets = [0, 32], sizes = [1024, 16], strides = [1, 1]} : vector<1024x48xf32> to vector<1024x16xf32>
    %iota3A_58 = tpu.iota {dimensions = array<i32: 0>} : vector<10x1xi32>
    %ne3A_59 = arith.constant 0 : i32
    %ne3A_60 = vector.broadcast %ne3A_59 : i32 to vector<10x1xi32>
    %ne3A_61 = arith.cmpi ne, %iota3A_58, %ne3A_60 : vector<10x1xi32>
    %convert_element_type3A_62 = arith.extui %ne3A_61 : vector<10x1xi1> to vector<10x1xi32>
    %convert_element_type3A_63 = arith.sitofp %convert_element_type3A_62 : vector<10x1xi32> to vector<10x1xf32>
    %get3A_64 = arith.constant 0 : index
    %get3A_65 = arith.constant 0 : index
    %get3A_66 = vector.load %arg4[%get3A_64, %get3A_65] : memref<10x64xf32, #tpu.memory_space<vmem>>, vector<10x64xf32>
    %mul3A_67 = vector.broadcast %convert_element_type3A_63 : vector<10x1xf32> to vector<10x64xf32>
    %mul3A_68 = arith.mulf %get3A_66, %mul3A_67 : vector<10x64xf32>
    %broadcast_in_dim3A = arith.constant 0.000000e+00 : f32
    %broadcast_in_dim3A_69 = vector.broadcast %broadcast_in_dim3A : f32 to vector<6x64xf32>
    %concatenate3A = tpu.concatenate %mul3A_68, %broadcast_in_dim3A_69 in 0 : vector<10x64xf32>, vector<6x64xf32> -> vector<16x64xf32>
    %dot_general3A_70 = arith.constant dense<0.000000e+00> : vector<1024x64xf32>
    %dot_general3A_71 = tpu.matmul %slice3A, %concatenate3A, %dot_general3A_70 {dimension_numbers = #tpu.dot_dimension_numbers<[1], [0], [0], [1], [0, 0, 1, 1], [], []>, transpose_lhs_hint = false} : vector<1024x16xf32>, vector<16x64xf32>, vector<1024x64xf32> -> vector<1024x64xf32>
    %get3A_72 = arith.constant 0 : index
    %get3A_73 = arith.constant 0 : index
    %get3A_74 = vector.load %arg2[%get3A_72, %get3A_73] : memref<16x64xf32, #tpu.memory_space<vmem>>, vector<16x64xf32>
    %dot_general3A_75 = arith.constant dense<0.000000e+00> : vector<1024x64xf32>
    %dot_general3A_76 = tpu.matmul %slice3A_56, %get3A_74, %dot_general3A_75 {dimension_numbers = #tpu.dot_dimension_numbers<[1], [0], [0], [1], [0, 0, 1, 1], [], []>, transpose_lhs_hint = false} : vector<1024x16xf32>, vector<16x64xf32>, vector<1024x64xf32> -> vector<1024x64xf32>
    %add3A_77 = arith.addf %dot_general3A_71, %dot_general3A_76 : vector<1024x64xf32>
    %get3A_78 = arith.constant 0 : index
    %get3A_79 = arith.constant 0 : index
    %get3A_80 = vector.load %arg3[%get3A_78, %get3A_79] : memref<16x64xf32, #tpu.memory_space<vmem>>, vector<16x64xf32>
    %dot_general3A_81 = arith.constant dense<0.000000e+00> : vector<1024x64xf32>
    %dot_general3A_82 = tpu.matmul %slice3A_57, %get3A_80, %dot_general3A_81 {dimension_numbers = #tpu.dot_dimension_numbers<[1], [0], [0], [1], [0, 0, 1, 1], [], []>, transpose_lhs_hint = false} : vector<1024x16xf32>, vector<16x64xf32>, vector<1024x64xf32> -> vector<1024x64xf32>
    %add3A_83 = arith.addf %add3A_77, %dot_general3A_82 : vector<1024x64xf32>
    %slice3A_84 = vector.extract_strided_slice %slice3A {offsets = [0, 0], sizes = [1024, 1], strides = [1, 1]} : vector<1024x16xf32> to vector<1024x1xf32>
    %sub3A_85 = arith.constant 2.048000e+03 : f32
    %sub3A_86 = vector.broadcast %sub3A_85 : f32 to vector<1024x1xf32>
    %sub3A_87 = arith.subf %sub3A_86, %slice3A_84 : vector<1024x1xf32>
    %max3A = arith.constant 1.000000e+00 : f32
    %max3A_88 = vector.broadcast %max3A : f32 to vector<1024x1xf32>
    %max3A_89 = arith.maximumf %sub3A_87, %max3A_88 : vector<1024x1xf32>
    %div3A = vector.broadcast %max3A_89 : vector<1024x1xf32> to vector<1024x64xf32>
    %div3A_90 = arith.divf %add3A_83, %div3A : vector<1024x64xf32>
    %get3A_91 = arith.constant 0 : index
    %get3A_92 = arith.constant 0 : index
    %get3A_93 = vector.load %arg5[%get3A_91, %get3A_92] : memref<128x128xf32, #tpu.memory_space<vmem>>, vector<128x64xf32>
    %dot_general3A_94 = arith.constant dense<0.000000e+00> : vector<1024x128xf32>
    %dot_general3A_95 = tpu.matmul %div3A_90, %get3A_93, %dot_general3A_94 {dimension_numbers = #tpu.dot_dimension_numbers<[1], [1], [0], [0], [0, 0, 1, 0], [], []>, transpose_lhs_hint = false} : vector<1024x64xf32>, vector<128x64xf32>, vector<1024x128xf32> -> vector<1024x128xf32>
    %get3A_96 = arith.constant 0 : index
    %get3A_97 = arith.constant 0 : index
    %get3A_98 = vector.load %arg1[%get3A_96, %get3A_97] : memref<1024x64xf32, #tpu.memory_space<vmem>>, vector<1024x64xf32>
    %get3A_99 = arith.constant 0 : index
    %get3A_100 = arith.constant 64 : index
    %get3A_101 = vector.load %arg5[%get3A_99, %get3A_100] : memref<128x128xf32, #tpu.memory_space<vmem>>, vector<128x64xf32>
    %dot_general3A_102 = arith.constant dense<0.000000e+00> : vector<1024x128xf32>
    %dot_general3A_103 = tpu.matmul %get3A_98, %get3A_101, %dot_general3A_102 {dimension_numbers = #tpu.dot_dimension_numbers<[1], [1], [0], [0], [0, 0, 1, 0], [], []>, transpose_lhs_hint = false} : vector<1024x64xf32>, vector<128x64xf32>, vector<1024x128xf32> -> vector<1024x128xf32>
    %add3A_104 = arith.addf %dot_general3A_95, %dot_general3A_103 : vector<1024x128xf32>
    %get3A_105 = arith.constant 0 : index
    %get3A_106 = arith.constant 0 : index
    %get3A_107 = vector.load %arg6[%get3A_105, %get3A_106] : memref<1x128xf32, #tpu.memory_space<vmem>>, vector<1x128xf32>
    %add3A_108 = vector.broadcast %get3A_107 : vector<1x128xf32> to vector<1024x128xf32>
    %add3A_109 = arith.addf %add3A_104, %add3A_108 : vector<1024x128xf32>
    %swap3A = arith.constant 0 : index
    %swap3A_110 = arith.constant 0 : index
    %swap3A_111 = vector.load %arg7[%swap3A, %swap3A_110] : memref<1024x128xf32, #tpu.memory_space<vmem>>, vector<1024x128xf32>
    tpu.vector_store %arg7[%swap3A, %swap3A_110], %add3A_109 {strides = array<i32>} : memref<1024x128xf32, #tpu.memory_space<vmem>>, vector<1024x128xf32>,
    return
  }
}

</mosaic_0001>

<sc_bundles>
// kernel: kernel.4.cloned.1.call-start
scs
__scs_entry_jumppad:
0x0: {  	(pc) =	sbr.rel $0x88, $3  }
0x1: {  	(tag) =	ssettag $0x0;
	lr =	simm.s32 $0x1  }
0x2: {  	[smem:$0x3F9A] =	sst lr;
	_ =	strace $0xD0000000  }
0x3: {  	_ = 	snop  }
0x4: {  	_ = 	snop  }
0x5: {  	_ = 	snop  }
0x6: {  	_ = 	snop  }
0x7: {  	_ = 	snop  }
__scs_overlays_trampoline_lowered:
0x8: {  	[smem:$0x3FA9] =	sst s0  }
0x9: {  	[smem:$0x3FAA] =	sst s1  }
0xa: {  	[smem:$0x3FAB] =	sst s2  }
0xb: {  	[smem:$0x3FAC] =	sst s3  }
0xc: {  	[smem:$0x3FAD] =	sst s4  }
0xd: {  	[smem:$0x3FAE] =	sst s5  }
0xe: {  	[smem:$0x3FAF] =	sst s6  }
0xf: {  	[smem:$0x3FB0] =	sst s7  }
0x10: {  	[smem:$0x3FB1] =	sst s8  }
0x11: {  	[smem:$0x3FB2] =	sst s9;
	s0 =	simm.s32 @!p0 $0x0  }
0x12: {  	s1 =	sld [smem:$0x3F98];
	s0 =	simm.s32 @p0 $0x1  }
0x13: {  	[smem:$0x3FB3] =	sst s0;
	s0 =	simm.s32 @!p1 $0x0  }
0x14: {  	s2 =	sld [smem:$0x3F97];
	s0 =	simm.s32 @p1 $0x1  }
0x15: {  	[smem:$0x3FB4] =	sst s0;
	s0 =	simm.s32 @!p2 $0x0  }
0x16: {  	s3 =	sld [smem:$0x3FDB];
	s0 =	simm.s32 @p2 $0x1  }
0x17: {  	s4 =	simm.s32 $0x1BF5;
	[smem:$0x3FB6] =	sst s0  }
0x18: {  	s0 =	sld [smem:$0x3F99];
	_ =	swait.ge [sflag:s4], $0x0  }
0x19: {  	s7 =	sld [smem:$0x3F9A]  }
0x1a: {  	s8 =	sadd.s32 $0xFFFFE003, lr  }
0x1b: {  	s9 =	sadd.s32 $0xFFFFFEF7, lr;
	s5 =	simm.s32 $0xFFFFFFFF;
	p2 =	slt.u32 s8, $0xFFFFF086  }
0x1c: {  	p1 =	slt.u32 s9, $0xF7A;
	s5 =	simm.s32 @!p2 $0x0  }
0x1d: {  	s5 =	simm.s32 @p1 $0x1;
	p0 =	seq.s32 s7, s2  }
0x1e: {  	s7 =	smul.u32 @!p0 $0xF7A, s2;
	p2 =	seq.s32 @!p0 s5, $0x0  }
0x1f: {  	s9 =	smul.u32 $0xF7A, s1;
	s8 =	simm.s32 @!p0 $0x1BF5;
	p2 =	por !p2, p0  }
0x20: {  	[sflag:s8] =	ssyncset.s32 @!p0 $0xFFFFF086;
	s6 =	sadd.s32 @!p0 s3, s7;
	s7 =	simm.s32 @!p0 $0x108  }
0x21: {  	s3 =	sadd.s32 s3, s9;
	s6 =	sadd.s32 @!p0 $0x88, s6;
	s7 =	simm.s32 @p2 $0x1082  }
0x22: {  	[simem:s7], [sflag:s8] =	dma.local @!p0 [hbm:s6], $0xF7A  }
0x23: {  	s9 =	sor.u32 $0xD0000000, s2;
	s6 =	simm.s32 $0x108;
	_ =	swait.ge @!p0 [sflag:s8], $0x0  }
0x24: {  	s3 =	sadd.s32 $0x88, s3;
	s6 =	simm.s32 @!p1 $0x1082;
	[sflag:s4] =	ssyncset.s32 $0xFFFFF086  }
0x25: {  	[simem:s6], [sflag:s4] =	dma.local [hbm:s3], $0xF7A  }
0x26: {  	[smem:$0x3F9A] =	sst s1;
	(tag) =	ssettag s2;
	_ =	strace s9  }
0x27: {  	s1 =	sld [smem:$0x3FAA]  }
0x28: {  	s2 =	sld [smem:$0x3FAB]  }
0x29: {  	s4 =	sld [smem:$0x3FAD]  }
0x2a: {  	p0 =	seq.s32 s5, $0x0;
	s5 =	sld [smem:$0x3FAE]  }
0x2b: {  	s6 =	sld [smem:$0x3FAF]  }
0x2c: {  	s7 =	sld [smem:$0x3FB0]  }
0x2d: {  	s3 =	simm.s32 $0x108;
	s8 =	sld [smem:$0x3FB1]  }
0x2e: {  	s3 =	simm.s32 @!p0 $0x1082;
	s9 =	sld [smem:$0x3FB2]  }
0x2f: {  	lr =	sadd.s32 s0, s3;
	s0 =	sld [smem:$0x3FA9]  }
0x30: {  	s3 =	sld [smem:$0x3FAC]  }
0x31: {  	[smem:$0x3FB5] =	sst s10  }
0x32: {  	s10 =	sld [smem:$0x3FB3];
	_ =	sdelay $0x3  }
0x33: {  	p0 =	seq.s32 s10, $0x1;
	s10 =	sld [smem:$0x3FB5];
	_ =	sdelay $0x3  }
0x34: {  	[smem:$0x3FB5] =	sst s10  }
0x35: {  	s10 =	sld [smem:$0x3FB4];
	_ =	sdelay $0x3  }
0x36: {  	p1 =	seq.s32 s10, $0x1;
	s10 =	sld [smem:$0x3FB5];
	_ =	sdelay $0x3  }
0x37: {  	[smem:$0x3FB5] =	sst s10  }
0x38: {  	s10 =	sld [smem:$0x3FB6]  }
0x39: {  	_ = 	snop;
	(pc) =	sbr.ind lr, $3  }
0x3a: {  	_ = 	snop  }
0x3b: {  	_ = 	snop  }
0x3c: {  	p2 =	seq.s32 s10, $0x1;
	s10 =	sld [smem:$0x3FB5]  }
0x3d: {  	_ =	shalt  }
0x3e: {  	_ =	shalt  }
0x3f: {  	_ =	shalt  }
0x40: {  	_ =	shalt  }
0x41: {  	_ =	shalt  }
0x42: {  	_ =	shalt  }
0x43: {  	_ =	shalt  }
0x44: {  	_ =	shalt  }
0x45: {  	_ =	shalt  }
0x46: {  	_ =	shalt  }
0x47: {  	_ =	shalt  }
0x48: {  	_ =	shalt  }
0x49: {  	_ =	shalt  }
0x4a: {  	_ =	shalt  }
0x4b: {  	_ =	shalt  }
0x4c: {  	_ =	shalt  }
0x4d: {  	_ =	shalt  }
0x4e: {  	_ =	shalt  }
0x4f: {  	_ =	shalt  }
0x50: {  	_ =	shalt  }
0x51: {  	_ =	shalt  }
0x52: {  	_ =	shalt  }
0x53: {  	_ =	shalt  }
0x54: {  	_ =	shalt  }
0x55: {  	_ =	shalt  }
0x56: {  	_ =	shalt  }
0x57: {  	_ =	shalt  }
0x58: {  	_ =	shalt  }
0x59: {  	_ =	shalt  }
0x5a: {  	_ =	shalt  }
0x5b: {  	_ =	shalt  }
0x5c: {  	_ =	shalt  }
0x5d: {  	_ =	shalt  }
0x5e: {  	_ =	shalt  }
0x5f: {  	_ =	shalt  }
0x60: {  	_ =	shalt  }
0x61: {  	_ =	shalt  }
0x62: {  	_ =	shalt  }
0x63: {  	_ =	shalt  }
0x64: {  	_ =	shalt  }
0x65: {  	_ =	shalt  }
0x66: {  	_ =	shalt  }
0x67: {  	_ =	shalt  }
0x68: {  	_ =	shalt  }
0x69: {  	_ =	shalt  }
0x6a: {  	_ =	shalt  }
0x6b: {  	_ =	shalt  }
0x6c: {  	_ =	shalt  }
0x6d: {  	_ =	shalt  }
0x6e: {  	_ =	shalt  }
0x6f: {  	_ =	shalt  }
0x70: {  	_ =	shalt  }
0x71: {  	_ =	shalt  }
0x72: {  	_ =	shalt  }
0x73: {  	_ =	shalt  }
0x74: {  	_ =	shalt  }
0x75: {  	_ =	shalt  }
0x76: {  	_ =	shalt  }
0x77: {  	_ =	shalt  }
0x78: {  	_ =	shalt  }
0x79: {  	_ =	shalt  }
0x7a: {  	_ =	shalt  }
0x7b: {  	_ =	shalt  }
0x7c: {  	_ =	shalt  }
0x7d: {  	_ =	shalt  }
0x7e: {  	_ =	shalt  }
0x7f: {  	_ =	shalt  }
0x80: {  	_ =	shalt  }
0x81: {  	_ =	shalt  }
0x82: {  	_ =	shalt  }
0x83: {  	_ =	shalt  }
0x84: {  	_ =	shalt  }
0x85: {  	_ =	shalt  }
0x86: {  	_ =	shalt  }
0x87: {  	_ =	shalt  }
.Lfunc_end0:
.L_simem_size_0:
called_computation_lowered:
.L_overlay_start_0:
0x88: {  	s0 =	sld [smem:$0x3FD9]  }
0x89: {  	s1 =	sld [smem:$0x3FFE];
	_ =	sdelay $0x3  }
0x8a: {  	s0 =	sadd.s32 s1, s0  }
0x8b: {  	[smem:$0x3FC1] =	sst s0  }
0x8c: {  	_ = 	snop  }
0x8d: {  	(tm) =	ssettm $0x1  }
0x8e: {  	s15 =	sld [smem:$0x3FFB];
	_ =	sdelay $0x3  }
0x8f: {  	_ =	strace s15  }
0x90: {  	s0 =	sld [smem:$0x3FFC];
	_ =	sdelay $0x3  }
0x91: {  	_ =	strace s0  }
0x92: {  	s0 =	sld [smem:$0x3FFD];
	_ =	sdelay $0x3  }
0x93: {  	_ =	strace s0  }
0x94: {  	_ =	strace $0x8FFFFFFF  }
0x95: {  	s16 =	sld [smem:$0x3FDB];
	_ =	sdelay $0x1  }
0x96: {  	s17 =	simm.s32 $_scs_section_size  }
0x97: {  	s2 =	simm.s32 $_size__tile_overlayer_lowered;
	s3 =	simm.s32 $_tile_overlayer_lowered  }
0x98: {  	s20 =	simm.s32 $0x1BFF;
	s19 =	sshll.u32 s3, $0x1;
	s0 =	sadd.s32 s17, s16  }
0x99: {  	s4 =	simm.s32 $0x0;
	s18 =	sshll.u32 s2, $0x1;
	s2 =	sadd.s32 s19, s0  }
0x9a: {  	[timem:s4], [sflag:s20] =	dma.local [hbm:s2], s18  }
0x9b: {  	_ =	swait.ge [sflag:s20], s18  }
0x9c: {  	s1 =	ssub.s32 $0x0, s18;
	[sflag:s20] =	ssyncset.done $0x0  }
0x9d: {  	[sflag:s20] =	ssyncadd.s32 s1;
	_ =	sdelay $0x1  }
0x9e: {  	s21 =	simm.s32 $0x1B8B  }
0x9f: {  	_ =	swait.ge [sflag:s21], $0x1  }
0xa0: {  	[sflag:s21] =	ssyncset.done $0x0  }
0xa1: {  	s23 =	simm.s32 $0x1B8E;
	s22 =	sld [smem:$0x3FFE];
	[sflag:s21] =	ssyncadd.s32 $0xFFFFFFFF  }
0xa2: {  	s24 =	simm.s32 $execute0_lowered;
	[smem:$0x3FD2] =	sst s23  }
0xa3: {  	s2 =	sshll.u32 s24, $0x1;
	_ =	strace $0x80000046;
	[dreg:$0x1] =	wrdreg $0xFFFFFFFF  }
0xa4: {  	s25 =	simm.s32 $_size_execute0_lowered;
	s0 =	sadd.s32 s0, s2;
	[dreg:$0x0] =	wrdreg $0x0  }
0xa5: {  	s2 =	sshll.u32 s25, $0x1;
	[dreg:$0x2] =	wrdreg s0  }
0xa6: {  	[dreg:$0x3] =	wrdreg s2  }
0xa7: {  	[dreg:$0x4] =	wrdreg $0xC0  }
0xa8: {  	_ =	task [dreg:s4], $0x5FFFF  }
0xa9: {  	[dreg:$0x1] =	wrdreg $0xFFFFFFFF  }
0xaa: {  	[dreg:$0x0] =	wrdreg $0x60  }
0xab: {  	[dreg:$0x2] =	wrdreg s22  }
0xac: {  	[dreg:$0x3] =	wrdreg $0x9  }
0xad: {  	_ =	task.clear_ibuf [dreg:s4], $0x4FFFF;
	_ =	strace $0x90000046  }
0xae: {  	s26 =	simm.s32 $0x9;
	_ =	strace $0x80000048  }
0xaf: {  	_ =	swait.ge [sflag:s26], $0x1  }
0xb0: {  	[sflag:s26] =	ssyncadd.s32 $0xFFFFFFFF  }
0xb1: {  	_ =	strace $0x90000048  }
0xb2: {  	_ =	sfence  }
0xb3: {  	s28 =	sld [smem:$0x0];
	_ =	sdelay $0x1  }
0xb4: {  	s29 =	srdreg.scid  }
0xb5: {  	s30 =	sshll.u32 s29, $0xD;
	s31 =	sshrl.u32 s29, $0x2  }
0xb6: {  	s1 =	sand.u32 $0x1, s29;
	s2 =	sand.u32 $0x4000, s30;
	s0 =	sadd.s32 s31, s28  }
0xb7: {  	s1 =	sor.u32 s2, s1;
	s0 =	sshll.u32 s0, $0x11  }
0xb8: {  	s0 =	sor.u32 s0, s1  }
0xb9: {  	s0 =	sadd.s32 $0x8F2B, s0  }
0xba: {  	[sflag:s0] =	ssyncadd.remote.s32 $0x1  }
0xbb: {  	_ =	sfence.sel $0xFFFF  }
0xbc: {  	[dreg:$0x0] =	wrdreg $0xFFFFFFFF;
	(pc) =	sbr.abs _section_cstart, $3  }
0xbd: {  	[dreg:$0x1] =	wrdreg $0xFFFFFFFF  }
0xbe: {  	_ =	task.clear_ibuf [dreg:s4], $0x2FFFF;
	_ =	strace $0x9FFFFFFF  }
0xbf: {  	(tm) =	ssettm $0x7FFFFFFF  }
tec
execute0_lowered:
.L_overlay_start_1:
0x0: {  	(tag) =	ssettag $0x1  }
0x1: {  	s2 =	rddreg [dreg:$0x0]  }
0x2: {  	s0 =	rddreg [dreg:$0x1];
	s4 =	simm.s32 $0x0;
	s1 =	stileid.u32  }
0x3: {  	[smem:$0x7FF] =	sst s4;
	s3 =	sadd.s32 $0x201000, s2;
	s5 =	sshll.u32 s1, $0xE  }
0x4: {  	s31 =	simm.s32 $0x1;
	_ =	strace $0x80000047;
	s5 =	sadd.s32 s3, s5  }
0x5: {  	[tilespmem:s4], [sflag:$0x1] =	stream.linear.gather [hbm4b:s5+s4], $0x10000, $0x38;
	[tilespmem:$0x16000] =	vst v63  }
0x6: {  	_ =	swait.ge [sflag:s31], $0x10000  }
0x7: {  	[sflag:s31] =	ssyncset.done $0x0  }
0x8: {  	v0 =	vimm.f32 $0.0e+00;
	s4 =	simm.s32 $0x10080;
	[sflag:s31] =	ssyncadd.s32 $0xFFFF0000  }
0x9: {  	[tilespmem:s4+$0xFFFFFF80] =	vst v0  }
0xa: {  	[tilespmem:s4+$0x70] =	vst v0  }
0xb: {  	[tilespmem:s4+$0x60] =	vst v0  }
0xc: {  	[tilespmem:s4+$0x50] =	vst v0  }
0xd: {  	[tilespmem:s4+$0x40] =	vst v0  }
0xe: {  	[tilespmem:s4+$0x30] =	vst v0  }
0xf: {  	[tilespmem:s4+$0x20] =	vst v0  }
0x10: {  	[tilespmem:s4+$0x10] =	vst v0  }
0x11: {  	[tilespmem:s4+$0x0] =	vst v0  }
0x12: {  	[tilespmem:s4+$0xFFFFFFF0] =	vst v0  }
0x13: {  	[tilespmem:s4+$0xFFFFFFE0] =	vst v0  }
0x14: {  	[tilespmem:s4+$0xFFFFFFD0] =	vst v0  }
0x15: {  	[tilespmem:s4+$0xFFFFFFC0] =	vst v0  }
0x16: {  	[tilespmem:s4+$0xFFFFFFB0] =	vst v0  }
0x17: {  	s2 =	sadd.s32 $0x1000, s2;
	s5 =	simm.s32 $0x0;
	[tilespmem:s4+$0xFFFFFFA0] =	vst v0  }
.LBB2_1:
0x18: {  	s5 =	sadd.s32 $0x10, s5;
	[tilespmem:s4+$0xFFFFFF90] =	vst v0;
	s4 =	sadd.s32 $0x100, s4  }
0x19: {  	[tilespmem:s4+$0xFFFFFF80] =	vst v0;
	p0 =	slt.u32 s5, $0x5F0  }
0x1a: {  	[tilespmem:s4+$0x70] =	vst v0  }
0x1b: {  	[tilespmem:s4+$0x60] =	vst v0  }
0x1c: {  	[tilespmem:s4+$0x50] =	vst v0  }
0x1d: {  	[tilespmem:s4+$0x40] =	vst v0  }
0x1e: {  	[tilespmem:s4+$0x30] =	vst v0  }
0x1f: {  	[tilespmem:s4+$0x20] =	vst v0  }
0x20: {  	[tilespmem:s4+$0x10] =	vst v0  }
0x21: {  	[tilespmem:s4+$0x0] =	vst v0  }
0x22: {  	[tilespmem:s4+$0xFFFFFFF0] =	vst v0  }
.Ltmp0:
0x23: {  	[tilespmem:s4+$0xFFFFFFE0] =	vst v0;
	(pc) =	sbr.rel @p0 .LBB2_1-.Ltmp0, $4  }
0x24: {  	[tilespmem:s4+$0xFFFFFFD0] =	vst v0  }
0x25: {  	[tilespmem:s4+$0xFFFFFFC0] =	vst v0  }
0x26: {  	[tilespmem:s4+$0xFFFFFFB0] =	vst v0  }
0x27: {  	[tilespmem:s4+$0xFFFFFFA0] =	vst v0  }
0x28: {  	s5 =	simm.s32 $0x0  }
0x29: {  	[tilespmem:s4+$0xFFFFFF90] =	vst v0;
	s6 =	simm.s32 $0x40;
	s29 =	smul.u32 $0x300, s5  }
0x2a: {  	v0 =	vld [tilespmem:s6+$0xFFFFFFC0]  }
0x2b: {  	v7 =	vlaneseq.u32;
	s5 =	sadd.s32 $0x200, s29  }
0x2c: {  	v8 =	vmul.u32 $0x10, v7;
	v1 =	vmov s5  }
0x2d: {  	s30 =	simm.s32 $0x0;
	v1 =	vshrl.u32 v1, $0x7  }
0x2e: {  	v2 =	vor.u32 s29, v8;
	s5 =	sand.u32 $0x8, s30;
	v1 =	vshll.u32 v1, $0x7  }
0x2f: {  	v9 =	vor.u32 $0x100, v8;
	s5 =	sor.u32 s5, s29;
	v3 =	vadd.s32 v2, v0;
	v1 =	vbroadcast v1, $0x0  }
0x30: {  	v4 =	vadd.s32 s5, v9  }
0x31: {  	vm0 =	vlt.s32 v0, $0x1;
	v1 =	vor.u32 v7, v1  }
0x32: {  	v5 =	vnsel vm0, $0x1, v0  }
0x33: {  	s4 =	simm.s32 $0x10000;
	v0 =	vimm.f32 $1.000000000e+00;
	v5 =	vcvt.s32.f32 v5  }
0x34: {  	[tilespmem:v3+s4+$0x0] =	vst.idx.add.f32.msk $0xffff, v0  }
0x35: {  	[tilespmem:v4+s4+$0x0] =	vst.idx.add.f32.msk $0xffff, v5  }
0x36: {  	[tilespmem:v1+s4+$0x0] =	vst.idx.add.f32.msk $0xffff, v5  }
0x37: {  	v3 =	vld [tilespmem:s6+$0xFFFFFFD0];
	_ =	sdelay $0x4  }
0x38: {  	v11 =	vor.u32 $0x101, v8;
	v4 =	vadd.s32 v2, v3  }
0x39: {  	v5 =	vadd.s32 s5, v11  }
0x3a: {  	vm7 =	vlt.s32 v3, $0x1  }
0x3b: {  	v3 =	vnsel vm7, $0x1, v3  }
0x3c: {  	v3 =	vcvt.s32.f32 v3  }
0x3d: {  	[tilespmem:v4+s4+$0x0] =	vst.idx.add.f32.msk $0xffff, v0  }
0x3e: {  	[tilespmem:v5+s4+$0x0] =	vst.idx.add.f32.msk $0xffff, v3  }
0x3f: {  	[tilespmem:v1+s4+$0x0] =	vst.idx.add.f32.msk $0xffff, v3  }
0x40: {  	v3 =	vld [tilespmem:s6+$0xFFFFFFE0];
	_ =	sdelay $0x2  }
0x41: {  	s8 =	simm.s32 $0x0  }
0x42: {  	s7 =	simm.s32 $0xC0;
	s8 =	smul.u32 $0x300, s8  }
0x43: {  	v12 =	vor.u32 $0x102, v8;
	v5 =	vld [tilespmem:s7+$0xFFFFFFC0];
	v6 =	vadd.s32 v2, v3  }
0x44: {  	s9 =	sadd.s32 $0x200, s8;
	v10 =	vadd.s32 s5, v12  }
0x45: {  	v4 =	vmov s9;
	vm8 =	vlt.s32 v3, $0x1  }
0x46: {  	s31 =	simm.s32 $0x8;
	v13 =	vshrl.u32 v4, $0x7;
	v3 =	vnsel vm8, $0x1, v3  }
0x47: {  	s9 =	sand.u32 $0x8, s31;
	v4 =	vor.u32 s8, v8;
	v13 =	vshll.u32 v13, $0x7;
	v14 =	vcvt.s32.f32 v3  }
0x48: {  	s8 =	sor.u32 s9, s8;
	v15 =	vadd.s32 v4, v5;
	v3 =	vbroadcast v13, $0x0;
	[tilespmem:v6+s4+$0x0] =	vst.idx.add.f32.msk $0xffff, v0  }
0x49: {  	v6 =	vadd.s32 s8, v9;
	[tilespmem:v10+s4+$0x0] =	vst.idx.add.f32.msk $0xffff, v14  }
0x4a: {  	vm9 =	vlt.s32 v5, $0x1;
	v3 =	vor.u32 v7, v3;
	[tilespmem:v1+s4+$0x0] =	vst.idx.add.f32.msk $0xffff, v14  }
0x4b: {  	v5 =	vnsel vm9, $0x1, v5;
	v10 =	vld [tilespmem:s6+$0xFFFFFFF0]  }
0x4c: {  	v5 =	vcvt.s32.f32 v5  }
0x4d: {  	[tilespmem:v15+s4+$0x0] =	vst.idx.add.f32.msk $0xffff, v0  }
0x4e: {  	[tilespmem:v6+s4+$0x0] =	vst.idx.add.f32.msk $0xffff, v5  }
0x4f: {  	[tilespmem:v3+s4+$0x0] =	vst.idx.add.f32.msk $0xffff, v5  }
0x50: {  	v14 =	vor.u32 $0x103, v8;
	v5 =	vld [tilespmem:s7+$0xFFFFFFD0];
	v6 =	vadd.s32 v2, v10  }
0x51: {  	v13 =	vadd.s32 s5, v14  }
0x52: {  	s10 =	simm.s32 $0x0;
	vm10 =	vlt.s32 v10, $0x1  }
0x53: {  	s10 =	smul.u32 $0x300, s10;
	s9 =	simm.s32 $0x140;
	v10 =	vnsel vm10, $0x1, v10  }
0x54: {  	v15 =	vld [tilespmem:s9+$0xFFFFFFC0];
	v10 =	vcvt.s32.f32 v10  }
0x55: {  	s11 =	sadd.s32 $0x200, s10;
	v16 =	vadd.s32 v4, v5;
	[tilespmem:v6+s4+$0x0] =	vst.idx.add.f32.msk $0xffff, v0  }
0x56: {  	v17 =	vadd.s32 s8, v11;
	v6 =	vmov s11;
	[tilespmem:v13+s4+$0x0] =	vst.idx.add.f32.msk $0xffff, v10  }
0x57: {  	vm11 =	vlt.s32 v5, $0x1;
	s11 =	simm.s32 $0x10;
	v13 =	vshrl.u32 v6, $0x7;
	[tilespmem:v1+s4+$0x0] =	vst.idx.add.f32.msk $0xffff, v10  }
0x58: {  	v5 =	vnsel vm11, $0x1, v5;
	s12 =	sand.u32 $0x8, s11;
	v6 =	vor.u32 s10, v8;
	v10 =	vshll.u32 v13, $0x7;
	v13 =	vld [tilespmem:s6+$0x0]  }
0x59: {  	v18 =	vcvt.s32.f32 v5;
	s10 =	sor.u32 s12, s10;
	v19 =	vadd.s32 v6, v15;
	v5 =	vbroadcast v10, $0x0  }
0x5a: {  	v10 =	vadd.s32 s10, v9;
	[tilespmem:v16+s4+$0x0] =	vst.idx.add.f32.msk $0xffff, v0  }
0x5b: {  	vm12 =	vlt.s32 v15, $0x1;
	[tilespmem:v17+s4+$0x0] =	vst.idx.add.f32.msk $0xffff, v18;
	v5 =	vor.u32 v7, v5  }
0x5c: {  	v15 =	vnsel vm12, $0x1, v15;
	[tilespmem:v3+s4+$0x0] =	vst.idx.add.f32.msk $0xffff, v18  }
0x5d: {  	v15 =	vcvt.s32.f32 v15;
	v16 =	vor.u32 $0x104, v8;
	v17 =	vld [tilespmem:s7+$0xFFFFFFE0];
	v18 =	vadd.s32 v2, v13  }
0x5e: {  	[tilespmem:v19+s4+$0x0] =	vst.idx.add.f32.msk $0xffff, v0;
	v19 =	vadd.s32 s5, v16  }
0x5f: {  	[tilespmem:v10+s4+$0x0] =	vst.idx.add.f32.msk $0xffff, v15;
	vm13 =	vlt.s32 v13, $0x1  }
0x60: {  	v10 =	vnsel vm13, $0x1, v13;
	[tilespmem:v5+s4+$0x0] =	vst.idx.add.f32.msk $0xffff, v15  }
0x61: {  	v10 =	vcvt.s32.f32 v10;
	v23 =	vld [tilespmem:s9+$0xFFFFFFD0]  }
0x62: {  	[tilespmem:v18+s4+$0x0] =	vst.idx.add.f32.msk $0xffff, v0  }
0x63: {  	v13 =	vadd.s32 v4, v17;
	[tilespmem:v19+s4+$0x0] =	vst.idx.add.f32.msk $0xffff, v10  }
0x64: {  	vm14 =	vlt.s32 v17, $0x1;
	v18 =	vadd.s32 s8, v12;
	[tilespmem:v1+s4+$0x0] =	vst.idx.add.f32.msk $0xffff, v10  }
0x65: {  	v10 =	vnsel vm14, $0x1, v17;
	v17 =	vld [tilespmem:s6+$0x10];
	_ =	sdelay $0x1  }
0x66: {  	v19 =	vcvt.s32.f32 v10  }
0x67: {  	v21 =	vadd.s32 v6, v23;
	[tilespmem:v13+s4+$0x0] =	vst.idx.add.f32.msk $0xffff, v0  }
0x68: {  	v22 =	vadd.s32 s10, v11;
	v15 =	vor.u32 $0x105, v8;
	[tilespmem:v18+s4+$0x0] =	vst.idx.add.f32.msk $0xffff, v19  }
0x69: {  	v10 =	vor.u32 $0x107, v8;
	vm15 =	vlt.s32 v23, $0x1;
	[tilespmem:v3+s4+$0x0] =	vst.idx.add.f32.msk $0xffff, v19;
	v18 =	vadd.s32 v2, v17  }
0x6a: {  	s12 =	simm.s32 $0x1C0;
	v13 =	vor.u32 $0x106, v8;
	v23 =	vnsel vm15, $0x1, v23;
	v19 =	vadd.s32 s5, v15;
	v20 =	vld [tilespmem:s7+$0xFFFFFFF0]  }
.LBB2_3:
0x6b: {  	s11 =	sadd.s32 $0x8, s11;
	v24 =	vld [tilespmem:s12+$0xFFFFFFC0];
	v23 =	vcvt.s32.f32 v23;
	vm0 =	vlt.s32 v17, $0x1  }
0x6c: {  	s13 =	sshrl.u32 s11, $0x7;
	[tilespmem:v21+s4+$0x0] =	vst.idx.add.f32.msk $0xffff, v0;
	v17 =	vnsel vm0, $0x1, v17  }
0x6d: {  	s13 =	smul.u32 $0x300, s13;
	[tilespmem:v22+s4+$0x0] =	vst.idx.add.f32.msk $0xffff, v23;
	v17 =	vcvt.s32.f32 v17  }
0x6e: {  	p0 =	slt.u32 s11, $0xFF8;
	[tilespmem:v18+s4+$0x0] =	vst.idx.add.f32.msk $0xffff, v0  }
0x6f: {  	v18 =	vadd.s32 v4, v20;
	s14 =	sadd.s32 $0x200, s13;
	[tilespmem:v19+s4+$0x0] =	vst.idx.add.f32.msk $0xffff, v17  }
0x70: {  	v21 =	vadd.s32 s8, v14;
	v19 =	vmov s14;
	[tilespmem:v1+s4+$0x0] =	vst.idx.add.f32.msk $0xffff, v17  }
0x71: {  	vm0 =	vlt.s32 v20, $0x1;
	v17 =	vshrl.u32 v19, $0x7;
	v19 =	vld [tilespmem:s6+$0x20]  }
0x72: {  	v20 =	vnsel vm0, $0x1, v20;
	v22 =	vor.u32 s13, v8;
	s14 =	sand.u32 $0x8, s11;
	v17 =	vshll.u32 v17, $0x7;
	[tilespmem:v5+s4+$0x0] =	vst.idx.add.f32.msk $0xffff, v23  }
0x73: {  	v20 =	vcvt.s32.f32 v20;
	s13 =	sor.u32 s14, s13;
	v23 =	vadd.s32 v22, v24;
	v17 =	vbroadcast v17, $0x0;
	v25 =	vld [tilespmem:s9+$0xFFFFFFE0]  }
0x74: {  	v26 =	vadd.s32 s13, v9;
	[tilespmem:v18+s4+$0x0] =	vst.idx.add.f32.msk $0xffff, v0  }
0x75: {  	vm0 =	vlt.s32 v24, $0x1;
	v27 =	vor.u32 v7, v17;
	[tilespmem:v21+s4+$0x0] =	vst.idx.add.f32.msk $0xffff, v20  }
0x76: {  	v17 =	vnsel vm0, $0x1, v24;
	[tilespmem:v3+s4+$0x0] =	vst.idx.add.f32.msk $0xffff, v20;
	v18 =	vadd.s32 v2, v19  }
0x77: {  	v21 =	vadd.s32 s5, v13;
	v17 =	vcvt.s32.f32 v17;
	v20 =	vld [tilespmem:s7+$0x0]  }
0x78: {  	vm0 =	vlt.s32 v19, $0x1;
	[tilespmem:v23+s4+$0x0] =	vst.idx.add.f32.msk $0xffff, v0  }
0x79: {  	v19 =	vnsel vm0, $0x1, v19;
	[tilespmem:v26+s4+$0x0] =	vst.idx.add.f32.msk $0xffff, v17  }
0x7a: {  	[tilespmem:v27+s4+$0x0] =	vst.idx.add.f32.msk $0xffff, v17;
	v17 =	vcvt.s32.f32 v19  }
0x7b: {  	v19 =	vadd.s32 v6, v25;
	[tilespmem:v18+s4+$0x0] =	vst.idx.add.f32.msk $0xffff, v0  }
0x7c: {  	v18 =	vadd.s32 v4, v20;
	[tilespmem:v21+s4+$0x0] =	vst.idx.add.f32.msk $0xffff, v17  }
0x7d: {  	v21 =	vadd.s32 s8, v16;
	[tilespmem:v1+s4+$0x0] =	vst.idx.add.f32.msk $0xffff, v17  }
0x7e: {  	vm0 =	vlt.s32 v20, $0x1;
	v23 =	vld [tilespmem:s6+$0x30];
	s6 =	smov.u32 s7;
	s7 =	smov.u32 s9;
	s9 =	smov.u32 s12  }
0x7f: {  	v17 =	vnsel vm0, $0x1, v20;
	v24 =	vld [tilespmem:s12+$0xFFFFFFD0]  }
0x80: {  	v17 =	vcvt.s32.f32 v17;
	[tilespmem:v19+s4+$0x0] =	vst.idx.add.f32.msk $0xffff, v0;
	v19 =	vadd.s32 s10, v12  }
0x81: {  	vm0 =	vlt.s32 v25, $0x1;
	[tilespmem:v18+s4+$0x0] =	vst.idx.add.f32.msk $0xffff, v0  }
0x82: {  	v18 =	vnsel vm0, $0x1, v25;
	[tilespmem:v21+s4+$0x0] =	vst.idx.add.f32.msk $0xffff, v17  }
0x83: {  	v18 =	vcvt.s32.f32 v18;
	[tilespmem:v3+s4+$0x0] =	vst.idx.add.f32.msk $0xffff, v17;
	v25 =	vadd.s32 v2, v23;
	v2 =	vmovc v4;
	v4 =	vmov v6  }
0x84: {  	v26 =	vadd.s32 s5, v10;
	s5 =	smov.u32 s8;
	s8 =	smov.u32 s10;
	s10 =	smov.u32 s13;
	v6 =	vmov v22;
	v17 =	vld [tilespmem:s6+$0x10]  }
0x85: {  	vm0 =	vlt.s32 v23, $0x1;
	[tilespmem:v19+s4+$0x0] =	vst.idx.add.f32.msk $0xffff, v18  }
.Ltmp1:
0x86: {  	[tilespmem:v5+s4+$0x0] =	vst.idx.add.f32.msk $0xffff, v18;
	v18 =	vnsel vm0, $0x1, v23;
	(pc) =	sbr.rel @p0 .LBB2_3-.Ltmp1, $4  }
0x87: {  	v21 =	vadd.s32 v6, v24;
	v20 =	vld [tilespmem:s7+$0xFFFFFFF0];
	v28 =	vcvt.s32.f32 v18  }
0x88: {  	v22 =	vadd.s32 s10, v11;
	[tilespmem:v25+s4+$0x0] =	vst.idx.add.f32.msk $0xffff, v0  }
0x89: {  	vm0 =	vlt.s32 v24, $0x1;
	v18 =	vadd.s32 v2, v17;
	[tilespmem:v26+s4+$0x0] =	vst.idx.add.f32.msk $0xffff, v28  }
0x8a: {  	s12 =	sadd.s32 $0x80, s12;
	v19 =	vadd.s32 s5, v15;
	v23 =	vnsel vm0, $0x1, v24;
	[tilespmem:v1+s4+$0x0] =	vst.idx.add.f32.msk $0xffff, v28;
	v1 =	vmovc v3;
	v3 =	vmovc v5;
	v5 =	vmov v27  }
0x8b: {  	_ =	sdelay $0x2  }
0x8c: {  	v7 =	vcvt.s32.f32 v23  }
0x8d: {  	[tilespmem:v21+s4+$0x0] =	vst.idx.add.f32.msk $0xffff, v0  }
0x8e: {  	[tilespmem:v22+s4+$0x0] =	vst.idx.add.f32.msk $0xffff, v7  }
0x8f: {  	[tilespmem:v5+s4+$0x0] =	vst.idx.add.f32.msk $0xffff, v7  }
0x90: {  	v7 =	vld [tilespmem:s9+$0xFFFFFFE0];
	_ =	sdelay $0x4  }
0x91: {  	v8 =	vadd.s32 v6, v7  }
0x92: {  	v9 =	vadd.s32 s10, v12  }
0x93: {  	vm0 =	vlt.s32 v7, $0x1  }
0x94: {  	v7 =	vnsel vm0, $0x1, v7  }
0x95: {  	v7 =	vcvt.s32.f32 v7  }
0x96: {  	[tilespmem:v8+s4+$0x0] =	vst.idx.add.f32.msk $0xffff, v0  }
0x97: {  	[tilespmem:v9+s4+$0x0] =	vst.idx.add.f32.msk $0xffff, v7  }
0x98: {  	[tilespmem:v5+s4+$0x0] =	vst.idx.add.f32.msk $0xffff, v7  }
0x99: {  	v7 =	vld [tilespmem:s9+$0xFFFFFFF0]  }
0x9a: {  	v30 =	vadd.s32 v4, v20  }
0x9b: {  	v31 =	vadd.s32 s8, v14  }
0x9c: {  	vm15 =	vlt.s32 v20, $0x1  }
0x9d: {  	v11 =	vnsel vm15, $0x1, v20  }
0x9e: {  	v11 =	vcvt.s32.f32 v11;
	v32 =	vadd.s32 v6, v7  }
0x9f: {  	v33 =	vadd.s32 s10, v14;
	[tilespmem:v30+s4+$0x0] =	vst.idx.add.f32.msk $0xffff, v0  }
0xa0: {  	[tilespmem:v31+s4+$0x0] =	vst.idx.add.f32.msk $0xffff, v11;
	vm4 =	vlt.s32 v7, $0x1  }
0xa1: {  	[tilespmem:v3+s4+$0x0] =	vst.idx.add.f32.msk $0xffff, v11;
	v7 =	vnsel vm4, $0x1, v7  }
0xa2: {  	v9 =	vld [tilespmem:s7+$0x0];
	v7 =	vcvt.s32.f32 v7  }
0xa3: {  	[tilespmem:v32+s4+$0x0] =	vst.idx.add.f32.msk $0xffff, v0  }
0xa4: {  	[tilespmem:v33+s4+$0x0] =	vst.idx.add.f32.msk $0xffff, v7  }
0xa5: {  	[tilespmem:v5+s4+$0x0] =	vst.idx.add.f32.msk $0xffff, v7  }
0xa6: {  	v7 =	vld [tilespmem:s9+$0x0]  }
0xa7: {  	v34 =	vadd.s32 v4, v9  }
0xa8: {  	v35 =	vadd.s32 s8, v16  }
0xa9: {  	vm5 =	vlt.s32 v9, $0x1  }
0xaa: {  	v9 =	vnsel vm5, $0x1, v9  }
0xab: {  	v9 =	vcvt.s32.f32 v9;
	v36 =	vadd.s32 v6, v7  }
0xac: {  	v37 =	vadd.s32 s10, v16;
	[tilespmem:v34+s4+$0x0] =	vst.idx.add.f32.msk $0xffff, v0  }
0xad: {  	[tilespmem:v35+s4+$0x0] =	vst.idx.add.f32.msk $0xffff, v9;
	vm6 =	vlt.s32 v7, $0x1  }
0xae: {  	[tilespmem:v3+s4+$0x0] =	vst.idx.add.f32.msk $0xffff, v9;
	v7 =	vnsel vm6, $0x1, v7  }
0xaf: {  	v9 =	vld [tilespmem:s7+$0x10];
	v7 =	vcvt.s32.f32 v7  }
0xb0: {  	[tilespmem:v36+s4+$0x0] =	vst.idx.add.f32.msk $0xffff, v0  }
0xb1: {  	[tilespmem:v37+s4+$0x0] =	vst.idx.add.f32.msk $0xffff, v7  }
0xb2: {  	vm7 =	vlt.s32 v17, $0x1;
	[tilespmem:v5+s4+$0x0] =	vst.idx.add.f32.msk $0xffff, v7  }
0xb3: {  	v38 =	vnsel vm7, $0x1, v17;
	v8 =	vld [tilespmem:s9+$0x10]  }
0xb4: {  	v39 =	vadd.s32 v4, v9;
	v7 =	vcvt.s32.f32 v38  }
0xb5: {  	[tilespmem:v18+s4+$0x0] =	vst.idx.add.f32.msk $0xffff, v0;
	v40 =	vadd.s32 s8, v15  }
0xb6: {  	vm8 =	vlt.s32 v9, $0x1;
	[tilespmem:v19+s4+$0x0] =	vst.idx.add.f32.msk $0xffff, v7  }
0xb7: {  	v41 =	vnsel vm8, $0x1, v9;
	[tilespmem:v1+s4+$0x0] =	vst.idx.add.f32.msk $0xffff, v7  }
0xb8: {  	v7 =	vcvt.s32.f32 v41;
	v42 =	vld [tilespmem:s6+$0x20];
	v43 =	vadd.s32 v6, v8  }
0xb9: {  	v44 =	vadd.s32 s10, v15;
	[tilespmem:v39+s4+$0x0] =	vst.idx.add.f32.msk $0xffff, v0  }
0xba: {  	[tilespmem:v40+s4+$0x0] =	vst.idx.add.f32.msk $0xffff, v7;
	vm9 =	vlt.s32 v8, $0x1  }
0xbb: {  	[tilespmem:v3+s4+$0x0] =	vst.idx.add.f32.msk $0xffff, v7;
	v45 =	vnsel vm9, $0x1, v8  }
0xbc: {  	v46 =	vld [tilespmem:s7+$0x20];
	v7 =	vcvt.s32.f32 v45  }
0xbd: {  	v47 =	vadd.s32 v2, v42;
	[tilespmem:v43+s4+$0x0] =	vst.idx.add.f32.msk $0xffff, v0  }
0xbe: {  	v48 =	vadd.s32 s5, v13;
	[tilespmem:v44+s4+$0x0] =	vst.idx.add.f32.msk $0xffff, v7  }
0xbf: {  	vm10 =	vlt.s32 v42, $0x1;
	[tilespmem:v5+s4+$0x0] =	vst.idx.add.f32.msk $0xffff, v7  }
0xc0: {  	v49 =	vnsel vm10, $0x1, v42;
	v50 =	vld [tilespmem:s9+$0x20]  }
0xc1: {  	v51 =	vadd.s32 v4, v46;
	v7 =	vcvt.s32.f32 v49  }
0xc2: {  	v52 =	vadd.s32 s8, v13;
	[tilespmem:v47+s4+$0x0] =	vst.idx.add.f32.msk $0xffff, v0  }
0xc3: {  	vm11 =	vlt.s32 v46, $0x1;
	[tilespmem:v48+s4+$0x0] =	vst.idx.add.f32.msk $0xffff, v7  }
0xc4: {  	v53 =	vnsel vm11, $0x1, v46;
	[tilespmem:v1+s4+$0x0] =	vst.idx.add.f32.msk $0xffff, v7  }
0xc5: {  	v7 =	vcvt.s32.f32 v53;
	v54 =	vld [tilespmem:s6+$0x30];
	v55 =	vadd.s32 v6, v50  }
0xc6: {  	v56 =	vadd.s32 s10, v13;
	[tilespmem:v51+s4+$0x0] =	vst.idx.add.f32.msk $0xffff, v0  }
0xc7: {  	[tilespmem:v52+s4+$0x0] =	vst.idx.add.f32.msk $0xffff, v7;
	vm12 =	vlt.s32 v50, $0x1  }
0xc8: {  	[tilespmem:v3+s4+$0x0] =	vst.idx.add.f32.msk $0xffff, v7;
	v57 =	vnsel vm12, $0x1, v50  }
0xc9: {  	v58 =	vld [tilespmem:s7+$0x30];
	v7 =	vcvt.s32.f32 v57  }
0xca: {  	[tilespmem:v55+s4+$0x0] =	vst.idx.add.f32.msk $0xffff, v0  }
0xcb: {  	[tilespmem:v56+s4+$0x0] =	vst.idx.add.f32.msk $0xffff, v7  }
0xcc: {  	v2 =	vadd.s32 v2, v54;
	[tilespmem:v5+s4+$0x0] =	vst.idx.add.f32.msk $0xffff, v7  }
0xcd: {  	v59 =	vadd.s32 s5, v10;
	v11 =	vld [tilespmem:s9+$0x30]  }
0xce: {  	vm13 =	vlt.s32 v54, $0x1  }
0xcf: {  	v8 =	vnsel vm13, $0x1, v54;
	v60 =	vadd.s32 v4, v58  }
0xd0: {  	v61 =	vadd.s32 s8, v10;
	v8 =	vcvt.s32.f32 v8  }
0xd1: {  	vm14 =	vlt.s32 v58, $0x1;
	[tilespmem:v2+s4+$0x0] =	vst.idx.add.f32.msk $0xffff, v0  }
0xd2: {  	v2 =	vnsel vm14, $0x1, v58;
	[tilespmem:v59+s4+$0x0] =	vst.idx.add.f32.msk $0xffff, v8;
	v62 =	vadd.s32 v6, v11  }
0xd3: {  	[tilespmem:v1+s4+$0x0] =	vst.idx.add.f32.msk $0xffff, v8;
	v1 =	vcvt.s32.f32 v2;
	v2 =	vadd.s32 s10, v10  }
0xd4: {  	[tilespmem:v60+s4+$0x0] =	vst.idx.add.f32.msk $0xffff, v0;
	vm15 =	vlt.s32 v11, $0x1  }
0xd5: {  	[tilespmem:v61+s4+$0x0] =	vst.idx.add.f32.msk $0xffff, v1;
	v63 =	vnsel vm15, $0x1, v11  }
0xd6: {  	[tilespmem:v3+s4+$0x0] =	vst.idx.add.f32.msk $0xffff, v1;
	v1 =	vcvt.s32.f32 v63  }
0xd7: {  	s24 =	smul.u32 $0x1800, s1;
	[tilespmem:v62+s4+$0x0] =	vst.idx.add.f32.msk $0xffff, v0  }
0xd8: {  	s26 =	simm.s32 $0x0;
	s28 =	simm.s32 $0x10000;
	[tilespmem:v2+s4+$0x0] =	vst.idx.add.f32.msk $0xffff, v1  }
0xd9: {  	s29 =	sshll.u32 s1, $0x6;
	s30 =	simm.s32 $0x1;
	s25 =	sadd.s32 s2, s24;
	[tilespmem:v5+s4+$0x0] =	vst.idx.add.f32.msk $0xffff, v1  }
0xda: {  	[hbm4b:s25+s26] =	stream.linear.scatter [tilespmem:s28], [sflag:$0x1], $0x6000, $0x38;
	[tilespmem:$0x16000] =	vst v63  }
0xdb: {  	s4 =	sor.u32 $0x20, s29;
	_ =	swait.ge [sflag:s30], $0x6000  }
0xdc: {  	s31 =	sshll.u32 s4, $0x8;
	[sflag:s30] =	ssyncset.done $0x0  }
0xdd: {  	s3 =	sadd.s32 s3, s31;
	[sflag:s30] =	ssyncadd.s32 $0xFFFFA000  }
0xde: {  	[tilespmem:s26], [sflag:$0x1] =	stream.linear.gather [hbm4b:s3+s26], $0x10000, $0x38;
	[tilespmem:$0x16000] =	vst v63  }
0xdf: {  	_ =	swait.ge [sflag:s30], $0x10000  }
0xe0: {  	[sflag:s30] =	ssyncset.done $0x0  }
0xe1: {  	v0 =	vimm.f32 $0.0e+00;
	s3 =	simm.s32 $0x10080;
	[sflag:s30] =	ssyncadd.s32 $0xFFFF0000  }
0xe2: {  	[tilespmem:s3+$0xFFFFFF80] =	vst v0  }
0xe3: {  	[tilespmem:s3+$0x70] =	vst v0  }
0xe4: {  	[tilespmem:s3+$0x60] =	vst v0  }
0xe5: {  	[tilespmem:s3+$0x50] =	vst v0  }
0xe6: {  	[tilespmem:s3+$0x40] =	vst v0  }
0xe7: {  	[tilespmem:s3+$0x30] =	vst v0  }
0xe8: {  	[tilespmem:s3+$0x20] =	vst v0  }
0xe9: {  	[tilespmem:s3+$0x10] =	vst v0  }
0xea: {  	[tilespmem:s3+$0x0] =	vst v0  }
0xeb: {  	[tilespmem:s3+$0xFFFFFFF0] =	vst v0  }
0xec: {  	[tilespmem:s3+$0xFFFFFFE0] =	vst v0  }
0xed: {  	[tilespmem:s3+$0xFFFFFFD0] =	vst v0  }
0xee: {  	[tilespmem:s3+$0xFFFFFFC0] =	vst v0  }
0xef: {  	[tilespmem:s3+$0xFFFFFFB0] =	vst v0  }
0xf0: {  	s5 =	simm.s32 $0x0;
	[tilespmem:s3+$0xFFFFFFA0] =	vst v0  }
.LBB2_5:
0xf1: {  	s5 =	sadd.s32 $0x10, s5;
	[tilespmem:s3+$0xFFFFFF90] =	vst v0;
	s3 =	sadd.s32 $0x100, s3  }
0xf2: {  	[tilespmem:s3+$0xFFFFFF80] =	vst v0;
	p0 =	slt.u32 s5, $0x5F0  }
0xf3: {  	[tilespmem:s3+$0x70] =	vst v0  }
0xf4: {  	[tilespmem:s3+$0x60] =	vst v0  }
0xf5: {  	[tilespmem:s3+$0x50] =	vst v0  }
0xf6: {  	[tilespmem:s3+$0x40] =	vst v0  }
0xf7: {  	[tilespmem:s3+$0x30] =	vst v0  }
0xf8: {  	[tilespmem:s3+$0x20] =	vst v0  }
0xf9: {  	[tilespmem:s3+$0x10] =	vst v0  }
0xfa: {  	[tilespmem:s3+$0x0] =	vst v0  }
0xfb: {  	[tilespmem:s3+$0xFFFFFFF0] =	vst v0  }
.Ltmp2:
0xfc: {  	[tilespmem:s3+$0xFFFFFFE0] =	vst v0;
	(pc) =	sbr.rel @p0 .LBB2_5-.Ltmp2, $4  }
0xfd: {  	[tilespmem:s3+$0xFFFFFFD0] =	vst v0  }
0xfe: {  	[tilespmem:s3+$0xFFFFFFC0] =	vst v0  }
0xff: {  	[tilespmem:s3+$0xFFFFFFB0] =	vst v0  }
0x100: {  	[tilespmem:s3+$0xFFFFFFA0] =	vst v0  }
0x101: {  	s5 =	simm.s32 $0x0  }
0x102: {  	[tilespmem:s3+$0xFFFFFF90] =	vst v0;
	s6 =	simm.s32 $0x40;
	s29 =	smul.u32 $0x300, s5  }
0x103: {  	v0 =	vld [tilespmem:s6+$0xFFFFFFC0]  }
0x104: {  	v7 =	vlaneseq.u32;
	s5 =	sadd.s32 $0x200, s29  }
0x105: {  	v8 =	vmul.u32 $0x10, v7;
	v1 =	vmov s5  }
0x106: {  	s30 =	simm.s32 $0x0;
	v1 =	vshrl.u32 v1, $0x7  }
0x107: {  	v2 =	vor.u32 s29, v8;
	s5 =	sand.u32 $0x8, s30;
	v1 =	vshll.u32 v1, $0x7  }
0x108: {  	v9 =	vor.u32 $0x100, v8;
	s5 =	sor.u32 s5, s29;
	v3 =	vadd.s32 v2, v0;
	v1 =	vbroadcast v1, $0x0  }
0x109: {  	v4 =	vadd.s32 s5, v9  }
0x10a: {  	vm0 =	vlt.s32 v0, $0x1;
	v1 =	vor.u32 v7, v1  }
0x10b: {  	v5 =	vnsel vm0, $0x1, v0  }
0x10c: {  	s3 =	simm.s32 $0x10000;
	v0 =	vimm.f32 $1.000000000e+00;
	v5 =	vcvt.s32.f32 v5  }
0x10d: {  	[tilespmem:v3+s3+$0x0] =	vst.idx.add.f32.msk $0xffff, v0  }
0x10e: {  	[tilespmem:v4+s3+$0x0] =	vst.idx.add.f32.msk $0xffff, v5  }
0x10f: {  	[tilespmem:v1+s3+$0x0] =	vst.idx.add.f32.msk $0xffff, v5  }
0x110: {  	v3 =	vld [tilespmem:s6+$0xFFFFFFD0];
	_ =	sdelay $0x4  }
0x111: {  	v11 =	vor.u32 $0x101, v8;
	v4 =	vadd.s32 v2, v3  }
0x112: {  	v5 =	vadd.s32 s5, v11  }
0x113: {  	vm7 =	vlt.s32 v3, $0x1  }
0x114: {  	v3 =	vnsel vm7, $0x1, v3  }
0x115: {  	v3 =	vcvt.s32.f32 v3  }
0x116: {  	[tilespmem:v4+s3+$0x0] =	vst.idx.add.f32.msk $0xffff, v0  }
0x117: {  	[tilespmem:v5+s3+$0x0] =	vst.idx.add.f32.msk $0xffff, v3  }
0x118: {  	[tilespmem:v1+s3+$0x0] =	vst.idx.add.f32.msk $0xffff, v3  }
0x119: {  	v3 =	vld [tilespmem:s6+$0xFFFFFFE0];
	_ =	sdelay $0x2  }
0x11a: {  	s8 =	simm.s32 $0x0  }
0x11b: {  	s7 =	simm.s32 $0xC0;
	s8 =	smul.u32 $0x300, s8  }
0x11c: {  	v12 =	vor.u32 $0x102, v8;
	v5 =	vld [tilespmem:s7+$0xFFFFFFC0];
	v6 =	vadd.s32 v2, v3  }
0x11d: {  	s9 =	sadd.s32 $0x200, s8;
	v10 =	vadd.s32 s5, v12  }
0x11e: {  	v4 =	vmov s9;
	vm8 =	vlt.s32 v3, $0x1  }
0x11f: {  	s31 =	simm.s32 $0x8;
	v13 =	vshrl.u32 v4, $0x7;
	v3 =	vnsel vm8, $0x1, v3  }
0x120: {  	s9 =	sand.u32 $0x8, s31;
	v4 =	vor.u32 s8, v8;
	v13 =	vshll.u32 v13, $0x7;
	v14 =	vcvt.s32.f32 v3  }
0x121: {  	s8 =	sor.u32 s9, s8;
	v15 =	vadd.s32 v4, v5;
	v3 =	vbroadcast v13, $0x0;
	[tilespmem:v6+s3+$0x0] =	vst.idx.add.f32.msk $0xffff, v0  }
0x122: {  	v6 =	vadd.s32 s8, v9;
	[tilespmem:v10+s3+$0x0] =	vst.idx.add.f32.msk $0xffff, v14  }
0x123: {  	vm9 =	vlt.s32 v5, $0x1;
	v3 =	vor.u32 v7, v3;
	[tilespmem:v1+s3+$0x0] =	vst.idx.add.f32.msk $0xffff, v14  }
0x124: {  	v5 =	vnsel vm9, $0x1, v5;
	v10 =	vld [tilespmem:s6+$0xFFFFFFF0]  }
0x125: {  	v5 =	vcvt.s32.f32 v5  }
0x126: {  	[tilespmem:v15+s3+$0x0] =	vst.idx.add.f32.msk $0xffff, v0  }
0x127: {  	[tilespmem:v6+s3+$0x0] =	vst.idx.add.f32.msk $0xffff, v5  }
0x128: {  	[tilespmem:v3+s3+$0x0] =	vst.idx.add.f32.msk $0xffff, v5  }
0x129: {  	v14 =	vor.u32 $0x103, v8;
	v5 =	vld [tilespmem:s7+$0xFFFFFFD0];
	v6 =	vadd.s32 v2, v10  }
0x12a: {  	v13 =	vadd.s32 s5, v14  }
0x12b: {  	s10 =	simm.s32 $0x0;
	vm10 =	vlt.s32 v10, $0x1  }
0x12c: {  	s10 =	smul.u32 $0x300, s10;
	s9 =	simm.s32 $0x140;
	v10 =	vnsel vm10, $0x1, v10  }
0x12d: {  	v15 =	vld [tilespmem:s9+$0xFFFFFFC0];
	v10 =	vcvt.s32.f32 v10  }
0x12e: {  	s11 =	sadd.s32 $0x200, s10;
	v16 =	vadd.s32 v4, v5;
	[tilespmem:v6+s3+$0x0] =	vst.idx.add.f32.msk $0xffff, v0  }
0x12f: {  	v17 =	vadd.s32 s8, v11;
	v6 =	vmov s11;
	[tilespmem:v13+s3+$0x0] =	vst.idx.add.f32.msk $0xffff, v10  }
0x130: {  	vm11 =	vlt.s32 v5, $0x1;
	s11 =	simm.s32 $0x10;
	v13 =	vshrl.u32 v6, $0x7;
	[tilespmem:v1+s3+$0x0] =	vst.idx.add.f32.msk $0xffff, v10  }
0x131: {  	v5 =	vnsel vm11, $0x1, v5;
	s12 =	sand.u32 $0x8, s11;
	v6 =	vor.u32 s10, v8;
	v10 =	vshll.u32 v13, $0x7;
	v13 =	vld [tilespmem:s6+$0x0]  }
0x132: {  	v18 =	vcvt.s32.f32 v5;
	s10 =	sor.u32 s12, s10;
	v19 =	vadd.s32 v6, v15;
	v5 =	vbroadcast v10, $0x0  }
0x133: {  	v10 =	vadd.s32 s10, v9;
	[tilespmem:v16+s3+$0x0] =	vst.idx.add.f32.msk $0xffff, v0  }
0x134: {  	vm12 =	vlt.s32 v15, $0x1;
	[tilespmem:v17+s3+$0x0] =	vst.idx.add.f32.msk $0xffff, v18;
	v5 =	vor.u32 v7, v5  }
0x135: {  	v15 =	vnsel vm12, $0x1, v15;
	[tilespmem:v3+s3+$0x0] =	vst.idx.add.f32.msk $0xffff, v18  }
0x136: {  	v15 =	vcvt.s32.f32 v15;
	v16 =	vor.u32 $0x104, v8;
	v17 =	vld [tilespmem:s7+$0xFFFFFFE0];
	v18 =	vadd.s32 v2, v13  }
0x137: {  	[tilespmem:v19+s3+$0x0] =	vst.idx.add.f32.msk $0xffff, v0;
	v19 =	vadd.s32 s5, v16  }
0x138: {  	[tilespmem:v10+s3+$0x0] =	vst.idx.add.f32.msk $0xffff, v15;
	vm13 =	vlt.s32 v13, $0x1  }
0x139: {  	v10 =	vnsel vm13, $0x1, v13;
	[tilespmem:v5+s3+$0x0] =	vst.idx.add.f32.msk $0xffff, v15  }
0x13a: {  	v10 =	vcvt.s32.f32 v10;
	v23 =	vld [tilespmem:s9+$0xFFFFFFD0]  }
0x13b: {  	[tilespmem:v18+s3+$0x0] =	vst.idx.add.f32.msk $0xffff, v0  }
0x13c: {  	v13 =	vadd.s32 v4, v17;
	[tilespmem:v19+s3+$0x0] =	vst.idx.add.f32.msk $0xffff, v10  }
0x13d: {  	vm14 =	vlt.s32 v17, $0x1;
	v18 =	vadd.s32 s8, v12;
	[tilespmem:v1+s3+$0x0] =	vst.idx.add.f32.msk $0xffff, v10  }
0x13e: {  	v10 =	vnsel vm14, $0x1, v17;
	v17 =	vld [tilespmem:s6+$0x10];
	_ =	sdelay $0x1  }
0x13f: {  	v19 =	vcvt.s32.f32 v10  }
0x140: {  	v21 =	vadd.s32 v6, v23;
	[tilespmem:v13+s3+$0x0] =	vst.idx.add.f32.msk $0xffff, v0  }
0x141: {  	v22 =	vadd.s32 s10, v11;
	v15 =	vor.u32 $0x105, v8;
	[tilespmem:v18+s3+$0x0] =	vst.idx.add.f32.msk $0xffff, v19  }
0x142: {  	v10 =	vor.u32 $0x107, v8;
	vm15 =	vlt.s32 v23, $0x1;
	[tilespmem:v3+s3+$0x0] =	vst.idx.add.f32.msk $0xffff, v19;
	v18 =	vadd.s32 v2, v17  }
0x143: {  	s12 =	simm.s32 $0x1C0;
	v13 =	vor.u32 $0x106, v8;
	v23 =	vnsel vm15, $0x1, v23;
	v19 =	vadd.s32 s5, v15;
	v20 =	vld [tilespmem:s7+$0xFFFFFFF0]  }
.LBB2_7:
0x144: {  	s11 =	sadd.s32 $0x8, s11;
	v24 =	vld [tilespmem:s12+$0xFFFFFFC0];
	v23 =	vcvt.s32.f32 v23;
	vm0 =	vlt.s32 v17, $0x1  }
0x145: {  	s13 =	sshrl.u32 s11, $0x7;
	[tilespmem:v21+s3+$0x0] =	vst.idx.add.f32.msk $0xffff, v0;
	v17 =	vnsel vm0, $0x1, v17  }
0x146: {  	s13 =	smul.u32 $0x300, s13;
	[tilespmem:v22+s3+$0x0] =	vst.idx.add.f32.msk $0xffff, v23;
	v17 =	vcvt.s32.f32 v17  }
0x147: {  	p0 =	slt.u32 s11, $0xFF8;
	[tilespmem:v18+s3+$0x0] =	vst.idx.add.f32.msk $0xffff, v0  }
0x148: {  	v18 =	vadd.s32 v4, v20;
	s14 =	sadd.s32 $0x200, s13;
	[tilespmem:v19+s3+$0x0] =	vst.idx.add.f32.msk $0xffff, v17  }
0x149: {  	v21 =	vadd.s32 s8, v14;
	v19 =	vmov s14;
	[tilespmem:v1+s3+$0x0] =	vst.idx.add.f32.msk $0xffff, v17  }
0x14a: {  	vm0 =	vlt.s32 v20, $0x1;
	v17 =	vshrl.u32 v19, $0x7;
	v19 =	vld [tilespmem:s6+$0x20]  }
0x14b: {  	v20 =	vnsel vm0, $0x1, v20;
	v22 =	vor.u32 s13, v8;
	s14 =	sand.u32 $0x8, s11;
	v17 =	vshll.u32 v17, $0x7;
	[tilespmem:v5+s3+$0x0] =	vst.idx.add.f32.msk $0xffff, v23  }
0x14c: {  	v20 =	vcvt.s32.f32 v20;
	s13 =	sor.u32 s14, s13;
	v23 =	vadd.s32 v22, v24;
	v17 =	vbroadcast v17, $0x0;
	v25 =	vld [tilespmem:s9+$0xFFFFFFE0]  }
0x14d: {  	v26 =	vadd.s32 s13, v9;
	[tilespmem:v18+s3+$0x0] =	vst.idx.add.f32.msk $0xffff, v0  }
0x14e: {  	vm0 =	vlt.s32 v24, $0x1;
	v27 =	vor.u32 v7, v17;
	[tilespmem:v21+s3+$0x0] =	vst.idx.add.f32.msk $0xffff, v20  }
0x14f: {  	v17 =	vnsel vm0, $0x1, v24;
	[tilespmem:v3+s3+$0x0] =	vst.idx.add.f32.msk $0xffff, v20;
	v18 =	vadd.s32 v2, v19  }
0x150: {  	v21 =	vadd.s32 s5, v13;
	v17 =	vcvt.s32.f32 v17;
	v20 =	vld [tilespmem:s7+$0x0]  }
0x151: {  	vm0 =	vlt.s32 v19, $0x1;
	[tilespmem:v23+s3+$0x0] =	vst.idx.add.f32.msk $0xffff, v0  }
0x152: {  	v19 =	vnsel vm0, $0x1, v19;
	[tilespmem:v26+s3+$0x0] =	vst.idx.add.f32.msk $0xffff, v17  }
0x153: {  	[tilespmem:v27+s3+$0x0] =	vst.idx.add.f32.msk $0xffff, v17;
	v17 =	vcvt.s32.f32 v19  }
0x154: {  	v19 =	vadd.s32 v6, v25;
	[tilespmem:v18+s3+$0x0] =	vst.idx.add.f32.msk $0xffff, v0  }
0x155: {  	v18 =	vadd.s32 v4, v20;
	[tilespmem:v21+s3+$0x0] =	vst.idx.add.f32.msk $0xffff, v17  }
0x156: {  	v21 =	vadd.s32 s8, v16;
	[tilespmem:v1+s3+$0x0] =	vst.idx.add.f32.msk $0xffff, v17  }
0x157: {  	vm0 =	vlt.s32 v20, $0x1;
	v23 =	vld [tilespmem:s6+$0x30];
	s6 =	smov.u32 s7;
	s7 =	smov.u32 s9;
	s9 =	smov.u32 s12  }
0x158: {  	v17 =	vnsel vm0, $0x1, v20;
	v24 =	vld [tilespmem:s12+$0xFFFFFFD0]  }
0x159: {  	v17 =	vcvt.s32.f32 v17;
	[tilespmem:v19+s3+$0x0] =	vst.idx.add.f32.msk $0xffff, v0;
	v19 =	vadd.s32 s10, v12  }
0x15a: {  	vm0 =	vlt.s32 v25, $0x1;
	[tilespmem:v18+s3+$0x0] =	vst.idx.add.f32.msk $0xffff, v0  }
0x15b: {  	v18 =	vnsel vm0, $0x1, v25;
	[tilespmem:v21+s3+$0x0] =	vst.idx.add.f32.msk $0xffff, v17  }
0x15c: {  	v18 =	vcvt.s32.f32 v18;
	[tilespmem:v3+s3+$0x0] =	vst.idx.add.f32.msk $0xffff, v17;
	v25 =	vadd.s32 v2, v23;
	v2 =	vmovc v4;
	v4 =	vmov v6  }
0x15d: {  	v26 =	vadd.s32 s5, v10;
	s5 =	smov.u32 s8;
	s8 =	smov.u32 s10;
	s10 =	smov.u32 s13;
	v6 =	vmov v22;
	v17 =	vld [tilespmem:s6+$0x10]  }
0x15e: {  	vm0 =	vlt.s32 v23, $0x1;
	[tilespmem:v19+s3+$0x0] =	vst.idx.add.f32.msk $0xffff, v18  }
.Ltmp3:
0x15f: {  	[tilespmem:v5+s3+$0x0] =	vst.idx.add.f32.msk $0xffff, v18;
	v18 =	vnsel vm0, $0x1, v23;
	(pc) =	sbr.rel @p0 .LBB2_7-.Ltmp3, $4  }
0x160: {  	v21 =	vadd.s32 v6, v24;
	v20 =	vld [tilespmem:s7+$0xFFFFFFF0];
	v28 =	vcvt.s32.f32 v18  }
0x161: {  	v22 =	vadd.s32 s10, v11;
	[tilespmem:v25+s3+$0x0] =	vst.idx.add.f32.msk $0xffff, v0  }
0x162: {  	vm0 =	vlt.s32 v24, $0x1;
	v18 =	vadd.s32 v2, v17;
	[tilespmem:v26+s3+$0x0] =	vst.idx.add.f32.msk $0xffff, v28  }
0x163: {  	s12 =	sadd.s32 $0x80, s12;
	v19 =	vadd.s32 s5, v15;
	v23 =	vnsel vm0, $0x1, v24;
	[tilespmem:v1+s3+$0x0] =	vst.idx.add.f32.msk $0xffff, v28;
	v1 =	vmovc v3;
	v3 =	vmovc v5;
	v5 =	vmov v27  }
0x164: {  	_ =	sdelay $0x2  }
0x165: {  	v7 =	vcvt.s32.f32 v23  }
0x166: {  	[tilespmem:v21+s3+$0x0] =	vst.idx.add.f32.msk $0xffff, v0  }
0x167: {  	[tilespmem:v22+s3+$0x0] =	vst.idx.add.f32.msk $0xffff, v7  }
0x168: {  	[tilespmem:v5+s3+$0x0] =	vst.idx.add.f32.msk $0xffff, v7  }
0x169: {  	v7 =	vld [tilespmem:s9+$0xFFFFFFE0];
	_ =	sdelay $0x4  }
0x16a: {  	v8 =	vadd.s32 v6, v7  }
0x16b: {  	v9 =	vadd.s32 s10, v12  }
0x16c: {  	vm0 =	vlt.s32 v7, $0x1  }
0x16d: {  	v7 =	vnsel vm0, $0x1, v7  }
0x16e: {  	v7 =	vcvt.s32.f32 v7  }
0x16f: {  	[tilespmem:v8+s3+$0x0] =	vst.idx.add.f32.msk $0xffff, v0  }
0x170: {  	[tilespmem:v9+s3+$0x0] =	vst.idx.add.f32.msk $0xffff, v7  }
0x171: {  	[tilespmem:v5+s3+$0x0] =	vst.idx.add.f32.msk $0xffff, v7  }
0x172: {  	v7 =	vld [tilespmem:s9+$0xFFFFFFF0]  }
0x173: {  	v25 =	vadd.s32 v4, v20  }
0x174: {  	v26 =	vadd.s32 s8, v14  }
0x175: {  	vm15 =	vlt.s32 v20, $0x1  }
0x176: {  	v11 =	vnsel vm15, $0x1, v20  }
0x177: {  	v11 =	vcvt.s32.f32 v11;
	v27 =	vadd.s32 v6, v7  }
0x178: {  	v28 =	vadd.s32 s10, v14;
	[tilespmem:v25+s3+$0x0] =	vst.idx.add.f32.msk $0xffff, v0  }
0x179: {  	[tilespmem:v26+s3+$0x0] =	vst.idx.add.f32.msk $0xffff, v11;
	vm4 =	vlt.s32 v7, $0x1  }
0x17a: {  	[tilespmem:v3+s3+$0x0] =	vst.idx.add.f32.msk $0xffff, v11;
	v7 =	vnsel vm4, $0x1, v7  }
0x17b: {  	v9 =	vld [tilespmem:s7+$0x0];
	v7 =	vcvt.s32.f32 v7  }
0x17c: {  	[tilespmem:v27+s3+$0x0] =	vst.idx.add.f32.msk $0xffff, v0  }
0x17d: {  	[tilespmem:v28+s3+$0x0] =	vst.idx.add.f32.msk $0xffff, v7  }
0x17e: {  	[tilespmem:v5+s3+$0x0] =	vst.idx.add.f32.msk $0xffff, v7  }
0x17f: {  	v7 =	vld [tilespmem:s9+$0x0]  }
0x180: {  	v29 =	vadd.s32 v4, v9  }
0x181: {  	v30 =	vadd.s32 s8, v16  }
0x182: {  	vm5 =	vlt.s32 v9, $0x1  }
0x183: {  	v9 =	vnsel vm5, $0x1, v9  }
0x184: {  	v9 =	vcvt.s32.f32 v9;
	v31 =	vadd.s32 v6, v7  }
0x185: {  	v32 =	vadd.s32 s10, v16;
	[tilespmem:v29+s3+$0x0] =	vst.idx.add.f32.msk $0xffff, v0  }
0x186: {  	[tilespmem:v30+s3+$0x0] =	vst.idx.add.f32.msk $0xffff, v9;
	vm6 =	vlt.s32 v7, $0x1  }
0x187: {  	[tilespmem:v3+s3+$0x0] =	vst.idx.add.f32.msk $0xffff, v9;
	v7 =	vnsel vm6, $0x1, v7  }
0x188: {  	v9 =	vld [tilespmem:s7+$0x10];
	v7 =	vcvt.s32.f32 v7  }
0x189: {  	[tilespmem:v31+s3+$0x0] =	vst.idx.add.f32.msk $0xffff, v0  }
0x18a: {  	[tilespmem:v32+s3+$0x0] =	vst.idx.add.f32.msk $0xffff, v7  }
0x18b: {  	vm7 =	vlt.s32 v17, $0x1;
	[tilespmem:v5+s3+$0x0] =	vst.idx.add.f32.msk $0xffff, v7  }
0x18c: {  	v33 =	vnsel vm7, $0x1, v17;
	v8 =	vld [tilespmem:s9+$0x10]  }
0x18d: {  	v34 =	vadd.s32 v4, v9;
	v7 =	vcvt.s32.f32 v33  }
0x18e: {  	[tilespmem:v18+s3+$0x0] =	vst.idx.add.f32.msk $0xffff, v0;
	v35 =	vadd.s32 s8, v15  }
0x18f: {  	vm8 =	vlt.s32 v9, $0x1;
	[tilespmem:v19+s3+$0x0] =	vst.idx.add.f32.msk $0xffff, v7  }
0x190: {  	v36 =	vnsel vm8, $0x1, v9;
	[tilespmem:v1+s3+$0x0] =	vst.idx.add.f32.msk $0xffff, v7  }
0x191: {  	v7 =	vcvt.s32.f32 v36;
	v37 =	vld [tilespmem:s6+$0x20];
	v38 =	vadd.s32 v6, v8  }
0x192: {  	v39 =	vadd.s32 s10, v15;
	[tilespmem:v34+s3+$0x0] =	vst.idx.add.f32.msk $0xffff, v0  }
0x193: {  	[tilespmem:v35+s3+$0x0] =	vst.idx.add.f32.msk $0xffff, v7;
	vm9 =	vlt.s32 v8, $0x1  }
0x194: {  	[tilespmem:v3+s3+$0x0] =	vst.idx.add.f32.msk $0xffff, v7;
	v40 =	vnsel vm9, $0x1, v8  }
0x195: {  	v41 =	vld [tilespmem:s7+$0x20];
	v7 =	vcvt.s32.f32 v40  }
0x196: {  	v42 =	vadd.s32 v2, v37;
	[tilespmem:v38+s3+$0x0] =	vst.idx.add.f32.msk $0xffff, v0  }
0x197: {  	v43 =	vadd.s32 s5, v13;
	[tilespmem:v39+s3+$0x0] =	vst.idx.add.f32.msk $0xffff, v7  }
0x198: {  	vm10 =	vlt.s32 v37, $0x1;
	[tilespmem:v5+s3+$0x0] =	vst.idx.add.f32.msk $0xffff, v7  }
0x199: {  	v44 =	vnsel vm10, $0x1, v37;
	v45 =	vld [tilespmem:s9+$0x20]  }
0x19a: {  	v46 =	vadd.s32 v4, v41;
	v7 =	vcvt.s32.f32 v44  }
0x19b: {  	v47 =	vadd.s32 s8, v13;
	[tilespmem:v42+s3+$0x0] =	vst.idx.add.f32.msk $0xffff, v0  }
0x19c: {  	vm11 =	vlt.s32 v41, $0x1;
	[tilespmem:v43+s3+$0x0] =	vst.idx.add.f32.msk $0xffff, v7  }
0x19d: {  	v48 =	vnsel vm11, $0x1, v41;
	[tilespmem:v1+s3+$0x0] =	vst.idx.add.f32.msk $0xffff, v7  }
0x19e: {  	v7 =	vcvt.s32.f32 v48;
	v49 =	vld [tilespmem:s6+$0x30];
	v50 =	vadd.s32 v6, v45  }
0x19f: {  	v51 =	vadd.s32 s10, v13;
	[tilespmem:v46+s3+$0x0] =	vst.idx.add.f32.msk $0xffff, v0  }
0x1a0: {  	[tilespmem:v47+s3+$0x0] =	vst.idx.add.f32.msk $0xffff, v7;
	vm12 =	vlt.s32 v45, $0x1  }
0x1a1: {  	[tilespmem:v3+s3+$0x0] =	vst.idx.add.f32.msk $0xffff, v7;
	v52 =	vnsel vm12, $0x1, v45  }
0x1a2: {  	v53 =	vld [tilespmem:s7+$0x30];
	v7 =	vcvt.s32.f32 v52  }
0x1a3: {  	[tilespmem:v50+s3+$0x0] =	vst.idx.add.f32.msk $0xffff, v0  }
0x1a4: {  	[tilespmem:v51+s3+$0x0] =	vst.idx.add.f32.msk $0xffff, v7  }
0x1a5: {  	v54 =	vadd.s32 v2, v49;
	[tilespmem:v5+s3+$0x0] =	vst.idx.add.f32.msk $0xffff, v7  }
0x1a6: {  	v55 =	vadd.s32 s5, v10;
	v11 =	vld [tilespmem:s9+$0x30]  }
0x1a7: {  	vm13 =	vlt.s32 v49, $0x1  }
0x1a8: {  	v8 =	vnsel vm13, $0x1, v49;
	v56 =	vadd.s32 v4, v53  }
0x1a9: {  	v57 =	vadd.s32 s8, v10;
	v8 =	vcvt.s32.f32 v8  }
0x1aa: {  	vm14 =	vlt.s32 v53, $0x1;
	[tilespmem:v54+s3+$0x0] =	vst.idx.add.f32.msk $0xffff, v0  }
0x1ab: {  	v58 =	vnsel vm14, $0x1, v53;
	[tilespmem:v55+s3+$0x0] =	vst.idx.add.f32.msk $0xffff, v8;
	v59 =	vadd.s32 v6, v11  }
0x1ac: {  	v61 =	vadd.s32 s10, v10;
	v60 =	vcvt.s32.f32 v58;
	[tilespmem:v1+s3+$0x0] =	vst.idx.add.f32.msk $0xffff, v8  }
0x1ad: {  	[tilespmem:v56+s3+$0x0] =	vst.idx.add.f32.msk $0xffff, v0;
	vm15 =	vlt.s32 v11, $0x1  }
0x1ae: {  	[tilespmem:v57+s3+$0x0] =	vst.idx.add.f32.msk $0xffff, v60;
	v62 =	vnsel vm15, $0x1, v11  }
0x1af: {  	[tilespmem:v3+s3+$0x0] =	vst.idx.add.f32.msk $0xffff, v60;
	v63 =	vcvt.s32.f32 v62  }
0x1b0: {  	s4 =	smul.u32 $0x60, s4;
	[tilespmem:v59+s3+$0x0] =	vst.idx.add.f32.msk $0xffff, v0  }
0x1b1: {  	s29 =	simm.s32 $0x0;
	[tilespmem:v61+s3+$0x0] =	vst.idx.add.f32.msk $0xffff, v63  }
0x1b2: {  	s30 =	simm.s32 $0x10000;
	s31 =	simm.s32 $0x1;
	s2 =	sadd.s32 s2, s4;
	[tilespmem:v5+s3+$0x0] =	vst.idx.add.f32.msk $0xffff, v63  }
0x1b3: {  	[hbm4b:s2+s29] =	stream.linear.scatter [tilespmem:s30], [sflag:$0x1], $0x6000, $0x38;
	[tilespmem:$0x16000] =	vst v63  }
0x1b4: {  	_ =	swait.ge [sflag:s31], $0x6000  }
0x1b5: {  	[sflag:s31] =	ssyncset.done $0x0  }
0x1b6: {  	[sflag:s31] =	ssyncadd.s32 $0xFFFFA000  }
0x1b7: {  	_ =	sfence.sel $0x180000  }
0x1b8: {  	[bflag:$0x0] =	sbarrier.arrive $0xFFFF  }
0x1b9: {  	p0 =	sne.s32 s1, $0x0;
	_ =	strace $0x90000047  }
0x1ba: {  	s0 =	sadd.s32 @!p0 $0x100000, s0;
	[bflag:$0x2] =	sbarrier.arrive $0xFFFF  }
0x1bb: {  	[sflag:s0] =	ssyncadd.tile.s32 @!p0 $0x1;
	_ =	shalt  }
.Lfunc_end2:
_tile_overlayer_lowered:
.L_overlay_start_2:
0x1bc: {  	(tag) =	ssettag $0x2  }
0x1bd: {  	s0 =	rddreg [dreg:$0x0];
	s2 =	stileid.u32  }
0x1be: {  	s1 =	rddreg [dreg:$0x1];
	p0 =	sne.s32 s2, $0x0  }
0x1bf: {  	s3 =	rddreg [dreg:$0x2];
	[bflag:$0x3] =	sbarrier.arrive $0xFFFF;
	s2 =	simm.s32 @!p0 $0x1C01  }
0x1c0: {  	[timem:s3], [sflag:s2] =	dma.local @!p0 [hbm:s0], s1  }
0x1c1: {  	s0 =	simm.s32 @!p0 $0x1  }
0x1c2: {  	_ =	swait.ge @!p0 [sflag:s0], s1  }
0x1c3: {  	s1 =	ssub.s32 @!p0 $0x0, s1;
	[sflag:s0] =	ssyncset.done @!p0 $0x0  }
0x1c4: {  	[sflag:s0] =	ssyncadd.s32 @!p0 s1  }
0x1c5: {  	[bflag:$0x3] =	sbarrier.arrive $0xFFFF  }
0x1c6: {  	_ =	shalt  }

</sc_bundles>
